<compile_context>
chip_gen: v7x
topology: tpu7x:2x2x1
jax: 0.10.2.dev20260603
libtpu: 0.0.44.dev20260713+nightly
codegen_flags: <defaults>
</compile_context>

<pallas_src>
import functools

import jax
import jax.numpy as jnp
from jax import lax
from jax.experimental import pallas as pl
from jax.experimental.pallas import tpu as pltpu
from jax.experimental.pallas import tpu_sc as plsc

N = 16384
BASE_DIM = 128
VOCAB = 1000000
EMB = 64
OUT_DIM = 128

_NC = 2
_NS = 16
_NW = _NC * _NS
_L = 16
_WIN = 512
_NWIN = (VOCAB + _WIN - 1) // _WIN
_WPT = (_NWIN + _NW - 1) // _NW
_LAST_FULL = (VOCAB + 127) // 128 * 128 // _WIN
_REM_OFF = _LAST_FULL * _WIN
_NGRP = N // _L
_SLOTS = 128
_LAG = 64


@functools.cache
def _make_sc_gather():
    @functools.partial(
        pl.kernel,
        mesh=plsc.VectorSubcoreMesh(core_axis_name="c", subcore_axis_name="s"),
        out_type=jax.ShapeDtypeStruct((N, EMB), jnp.float32),
        compiler_params=pltpu.CompilerParams(needs_layout_passes=False),
        scratch_types=[
            pltpu.VMEM((N,), jnp.int32),
            pltpu.VMEM((N + _L,), jnp.int32),
            pltpu.VMEM((2, EMB, _WIN), jnp.float32),
            pltpu.VMEM((_SLOTS, EMB), jnp.float32),
            pltpu.SemaphoreType.DMA,
            pltpu.SemaphoreType.DMA,
        ],
    )
    def _sc_gather(tt_hbm, idx_hbm, out_hbm, idx_all, owned, win, stag,
                   sem_w, sem_o):
        wid = lax.axis_index("s") * _NC + lax.axis_index("c")
        lo_w = wid * _WPT
        lanes = lax.iota(jnp.int32, _L)
        pltpu.sync_copy(idx_hbm, idx_all)

        def build(g, off):
            jv = lanes + g * _L
            rv = idx_all[pl.ds(g * _L, _L)]
            wv = rv // _WIN
            m = (wv >= lo_w) & (wv < lo_w + _WPT)
            plsc.store_compressed(owned.at[pl.ds(off, _L)], jv, mask=m)
            return off + jnp.sum(jnp.where(m, 1, 0))

        n_owned = lax.fori_loop(0, _NGRP, build, 0)
        n_grp = (n_owned + _L - 1) // _L

        def start_window(w):
            @pl.when(lo_w + w < _LAST_FULL)
            def _():
                pltpu.make_async_copy(
                    tt_hbm.at[:, pl.ds((lo_w + w) * _WIN, _WIN)],
                    win.at[w % 2],
                    sem_w,
                ).start()

            @pl.when(lo_w + w == _LAST_FULL)
            def _():
                pltpu.make_async_copy(
                    tt_hbm.at[:, pl.ds((lo_w + w) * _WIN, 128)],
                    win.at[w % 2, :, pl.ds(0, 128)],
                    sem_w,
                ).start()

        def wait_window(w):
            @pl.when(lo_w + w < _LAST_FULL)
            def _():
                pltpu.make_async_copy(
                    tt_hbm.at[:, pl.ds(0, _WIN)], win.at[w % 2], sem_w
                ).wait()

            @pl.when(lo_w + w == _LAST_FULL)
            def _():
                pltpu.make_async_copy(
                    tt_hbm.at[:, pl.ds(0, 128)],
                    win.at[w % 2, :, pl.ds(0, 128)],
                    sem_w,
                ).wait()

        start_window(0)

        def wloop(w, mc):
            wait_window(w)
            start_window(w + 1)

            def pgroup(g, mc):
                jv = owned[pl.ds(g * _L, _L)]
                vmask = (lanes + g * _L) < n_owned
                rv = plsc.load_gather(idx_all, [jnp.where(vmask, jv, 0)])
                m = (rv // _WIN == lo_w + w) & vmask

                def member(state):
                    m, mc = state
                    jsc = jnp.min(jnp.where(m, jv, jnp.int32(1 << 30)))
                    rsc = jnp.sum(jnp.where(jv == jsc, rv, 0))
                    lane = rsc % _WIN
                    slot = mc % _SLOTS
                    pv = jnp.full((_L,), w % 2, jnp.int32)
                    lv = jnp.full((_L,), lane, jnp.int32)
                    for c4 in range(EMB // _L):
                        cv = lanes + c4 * _L
                        val = plsc.load_gather(win, [pv, cv, lv])
                        stag[slot, pl.ds(c4 * _L, _L)] = val
                    pltpu.make_async_copy(
                        stag.at[pl.ds(slot, 1)],
                        out_hbm.at[pl.ds(jsc, 1)],
                        sem_o,
                    ).start()

                    @pl.when(mc >= _LAG)
                    def _():
                        pltpu.make_async_copy(
                            stag.at[pl.ds(0, 1)],
                            out_hbm.at[pl.ds(0, 1)],
                            sem_o,
                        ).wait()

                    return m & (jv != jsc), mc + 1

                m, mc = lax.while_loop(
                    lambda s: jnp.any(s[0]), member, (m, mc))
                return mc

            return lax.fori_loop(0, n_grp, pgroup, mc)

        mc = lax.fori_loop(0, _WPT, wloop, 0)

        def drain(i, _):
            @pl.when(i < jnp.minimum(mc, _LAG))
            def _():
                pltpu.make_async_copy(
                    stag.at[pl.ds(0, 1)], out_hbm.at[pl.ds(0, 1)], sem_o
                ).wait()
            return 0

        lax.fori_loop(0, _LAG, drain, 0)

    return _sc_gather


_BLK = 2048


def _tc_body(base_ref, ecat_ref, charge_ref, l1k_ref, l1b_ref, l2k_ref,
             l2b_ref, proj_ref, out_ref):
    h = charge_ref[...] * l1k_ref[...] + l1b_ref[...]
    h = h * jax.nn.sigmoid(h)
    e_cont = jnp.dot(h, l2k_ref[...],
                     preferred_element_type=jnp.float32) + l2b_ref[...]
    p = proj_ref[...]
    out_ref[...] = (
        jnp.dot(base_ref[...], p[:BASE_DIM], preferred_element_type=jnp.float32)
        + jnp.dot(ecat_ref[...], p[BASE_DIM:BASE_DIM + EMB],
                  preferred_element_type=jnp.float32)
        + jnp.dot(e_cont, p[BASE_DIM + EMB:],
                  preferred_element_type=jnp.float32)
    )


def _tc_fused(base, e_cat, charge, l1k, l1b, l2k, l2b, proj):
    grid = N // _BLK
    return pl.pallas_call(
        _tc_body,
        grid=(grid,),
        in_specs=[
            pl.BlockSpec((_BLK, BASE_DIM), lambda i: (i, 0)),
            pl.BlockSpec((_BLK, EMB), lambda i: (i, 0)),
            pl.BlockSpec((_BLK, 1), lambda i: (i, 0)),
            pl.BlockSpec((1, EMB), lambda i: (0, 0)),
            pl.BlockSpec((1, EMB), lambda i: (0, 0)),
            pl.BlockSpec((EMB, EMB), lambda i: (0, 0)),
            pl.BlockSpec((1, EMB), lambda i: (0, 0)),
            pl.BlockSpec((BASE_DIM + 2 * EMB, OUT_DIM), lambda i: (0, 0)),
        ],
        out_specs=pl.BlockSpec((_BLK, OUT_DIM), lambda i: (i, 0)),
        out_shape=jax.ShapeDtypeStruct((N, OUT_DIM), jnp.float32),
    )(base, e_cat, charge, l1k, l1b, l2k, l2b, proj)


def kernel(base, element, charge, table, lin1_kernel, lin1_bias, lin2_kernel,
           lin2_bias, proj_kernel):
    el = element.astype(jnp.int32)
    e_cat = _make_sc_gather()(table.T, el)
    return _tc_fused(
        base, e_cat, charge,
        lin1_kernel.reshape(1, EMB), lin1_bias.reshape(1, EMB),
        lin2_kernel, lin2_bias.reshape(1, EMB), proj_kernel,
    )

# --- scband reference (transcript-rebuilt; emitter-appended) ---
"""Pipeline reference for scband-generic-joint-embedding-57440892617148 (READ-ONLY COPY).

The authoritative reference and input builder live on the scoring server;
editing this copy changes nothing except your own understanding.
"""

import jax, jax.numpy as jnp
import numpy as np

N = 16384
BASE_DIM = 128
VOCAB = 1000000
EMB = 64
OUT_DIM = 128


def setup_inputs(seed: int = 0) -> dict:
    key = jax.random.key(seed)
    ks = jax.random.split(key, 9)
    base = jax.random.normal(ks[0], (N, BASE_DIM), dtype=jnp.float32)
    element = jax.random.randint(ks[1], (N,), 0, VOCAB, dtype=jnp.int64)
    charge = jax.random.normal(ks[2], (N, 1), dtype=jnp.float32)
    # learned params
    table = jax.random.normal(ks[3], (VOCAB, EMB), dtype=jnp.float32) * 0.02
    lin1_kernel = jax.random.normal(ks[4], (1, EMB), dtype=jnp.float32) * 0.1
    lin1_bias = jnp.zeros((EMB,), dtype=jnp.float32)
    lin2_kernel = jax.random.normal(ks[5], (EMB, EMB), dtype=jnp.float32) * 0.1
    lin2_bias = jnp.zeros((EMB,), dtype=jnp.float32)
    proj_kernel = jax.random.normal(ks[6], (BASE_DIM + EMB + EMB, OUT_DIM), dtype=jnp.float32) * 0.05
    return {
        "base": base,
        "element": element,
        "charge": charge,
        "table": table,
        "lin1_kernel": lin1_kernel,
        "lin1_bias": lin1_bias,
        "lin2_kernel": lin2_kernel,
        "lin2_bias": lin2_bias,
        "proj_kernel": proj_kernel,
    }


def reference(base, element, charge, table, lin1_kernel, lin1_bias, lin2_kernel, lin2_bias, proj_kernel):
    # categorical embedder: table lookup (SparseCore gather)
    e_cat = jnp.take(table, element, axis=0)
    # continuous embedder: Linear -> SiLU -> Linear
    h = charge @ lin1_kernel + lin1_bias
    h = jax.nn.silu(h)
    e_cont = h @ lin2_kernel + lin2_bias
    # joint: concat base with all embedded features, then project (no bias)
    joint = jnp.concatenate([base, e_cat, e_cont], axis=-1)
    out = joint @ proj_kernel
    return out

if __name__ == "__main__":
    import jax
    _d = setup_inputs()
    print(jax.jit(kernel)(*tuple(_d.values())))

</pallas_src>

<mosaic_0001>
#map = affine_map<(d0, d1) -> (0, 0)>
#map1 = affine_map<(d0, d1) -> (0)>
module attributes {stable_mosaic.version = 14 : i64} {
  func.func @_sc_gather(%arg0: i32, %arg1: i32, %arg2: memref<64x1000000xf32, #tpu.memory_space<hbm>>, %arg3: memref<16384xi32, #tpu.memory_space<hbm>>, %arg4: memref<16384x64xf32, #tpu.memory_space<hbm>>, %arg5: memref<16384xi32, #tpu.memory_space<vmem>>, %arg6: memref<16400xi32, #tpu.memory_space<vmem>>, %arg7: memref<2x64x512xf32, #tpu.memory_space<vmem>>, %arg8: memref<128x64xf32, #tpu.memory_space<vmem>>, %arg9: memref<!tpu.dma_semaphore, #tpu.memory_space<semaphore_mem>>, %arg10: memref<!tpu.dma_semaphore, #tpu.memory_space<semaphore_mem>>) attributes {dimension_semantics = [#tpu.dimension_semantics<core_parallel>, #tpu.dimension_semantics<subcore_parallel>], iteration_bounds = array<i64: 2, 16>, scalar_prefetch = 0 : i64, scratch_operands = 6 : i64, tpu.core_type = #tpu.core_type<sc_vector_subcore>, window_params = [{transform_indices = #map}, {transform_indices = #map1}, {transform_indices = #map}]} {
    %mul3A = arith.constant 2 : i32
    %mul3A_0 = arith.muli %arg1, %mul3A : i32
    %add3A = arith.addi %mul3A_0, %arg0 : i32
    %mul3A_1 = arith.constant 62 : i32
    %mul3A_2 = arith.muli %add3A, %mul3A_1 : i32
    %iota3A = tpu.iota {dimensions = array<i32: 0>} : vector<16xi32>
    "tpu.region"() ({
      %run_scoped3A = tpu.sem_alloc : memref<!tpu.dma_semaphore, #tpu.memory_space<semaphore_mem>>
      tpu.enqueue_dma source(%arg3 : memref<16384xi32, #tpu.memory_space<hbm>>) target(%arg5 : memref<16384xi32, #tpu.memory_space<vmem>>) target_semaphore(%run_scoped3A : memref<!tpu.dma_semaphore, #tpu.memory_space<semaphore_mem>>)
      tpu.wait_dma2 semaphore(%run_scoped3A : memref<!tpu.dma_semaphore, #tpu.memory_space<semaphore_mem>>) src(%arg3 : memref<16384xi32, #tpu.memory_space<hbm>>) dst(%arg5 : memref<16384xi32, #tpu.memory_space<vmem>>)
      tpu.yield
    }) : () -> ()
    %scan3A = arith.constant 0 : i32
    %scan3A_3 = arith.constant 0 : i32
    %scan3A_4 = arith.constant 1024 : i32
    %scan3A_5 = arith.addi %scan3A_3, %scan3A_4 : i32
    %scan3A_6 = arith.constant 1 : i32
    %scan3A_7 = scf.for %scan3A_53 = %scan3A_3 to %scan3A_5 step %scan3A_6 iter_args(%scan3A_54 = %scan3A) -> (i32)  : i32 {
      %mul3A_55 = arith.constant 16 : i32
      %mul3A_56 = arith.muli %scan3A_53, %mul3A_55 : i32
      %add3A_57 = vector.broadcast %mul3A_56 : i32 to vector<16xi32>
      %add3A_58 = arith.addi %iota3A, %add3A_57 : vector<16xi32>
      %mul3A_59 = arith.constant 16 : i32
      %mul3A_60 = arith.muli %scan3A_53, %mul3A_59 : i32
      %get3A = arith.index_cast %mul3A_60 : i32 to index
      %get3A_61 = tpu.vector_load %arg5[%get3A] {strides = array<i32>} : memref<16384xi32, #tpu.memory_space<vmem>>, vector<16xi32>,
      %jit3A_62 = arith.constant 512 : i32
      %div3A_63 = vector.broadcast %jit3A_62 : i32 to vector<16xi32>
      %div3A_64 = arith.divsi %get3A_61, %div3A_63 : vector<16xi32>
      %sign3A_65 = arith.constant 0 : i32
      %sign3A_66 = vector.broadcast %sign3A_65 : i32 to vector<16xi32>
      %sign3A_67 = arith.cmpi sgt, %get3A_61, %sign3A_66 : vector<16xi32>
      %sign3A_68 = arith.extui %sign3A_67 : vector<16xi1> to vector<16xi32>
      %sign3A_69 = arith.constant 0 : i32
      %sign3A_70 = vector.broadcast %sign3A_69 : i32 to vector<16xi32>
      %sign3A_71 = arith.cmpi slt, %get3A_61, %sign3A_70 : vector<16xi32>
      %sign3A_72 = arith.extui %sign3A_71 : vector<16xi1> to vector<16xi32>
      %sign3A_73 = arith.subi %sign3A_68, %sign3A_72 : vector<16xi32>
      %sign3A_74 = arith.constant 0 : i32
      %sign3A_75 = arith.cmpi sgt, %jit3A_62, %sign3A_74 : i32
      %sign3A_76 = arith.extui %sign3A_75 : i1 to i32
      %sign3A_77 = arith.constant 0 : i32
      %sign3A_78 = arith.cmpi slt, %jit3A_62, %sign3A_77 : i32
      %sign3A_79 = arith.extui %sign3A_78 : i1 to i32
      %sign3A_80 = arith.subi %sign3A_76, %sign3A_79 : i32
      %ne3A_81 = vector.broadcast %sign3A_80 : i32 to vector<16xi32>
      %ne3A_82 = arith.cmpi ne, %sign3A_73, %ne3A_81 : vector<16xi32>
      %rem3A_83 = vector.broadcast %jit3A_62 : i32 to vector<16xi32>
      %rem3A_84 = arith.remsi %get3A_61, %rem3A_83 : vector<16xi32>
      %ne3A_85 = arith.constant 0 : i32
      %ne3A_86 = vector.broadcast %ne3A_85 : i32 to vector<16xi32>
      %ne3A_87 = arith.cmpi ne, %rem3A_84, %ne3A_86 : vector<16xi32>
      %and3A_88 = arith.andi %ne3A_82, %ne3A_87 : vector<16xi1>
      %sub3A_89 = arith.constant 1 : i32
      %sub3A_90 = vector.broadcast %sub3A_89 : i32 to vector<16xi32>
      %sub3A_91 = arith.subi %div3A_64, %sub3A_90 : vector<16xi32>
      %select_n3A_92 = arith.select %and3A_88, %sub3A_91, %div3A_64 : vector<16xi1>, vector<16xi32>
      %ge3A = vector.broadcast %mul3A_2 : i32 to vector<16xi32>
      %ge3A_93 = arith.cmpi sge, %select_n3A_92, %ge3A : vector<16xi32>
      %add3A_94 = arith.constant 62 : i32
      %add3A_95 = arith.addi %mul3A_2, %add3A_94 : i32
      %lt3A_96 = vector.broadcast %add3A_95 : i32 to vector<16xi32>
      %lt3A_97 = arith.cmpi slt, %select_n3A_92, %lt3A_96 : vector<16xi32>
      %and3A_98 = arith.andi %ge3A_93, %lt3A_97 : vector<16xi1>
      %swap3A = arith.index_cast %scan3A_54 : i32 to index
      %swap3A_99 = tpu.vector_load %arg6[%swap3A] masked %and3A_98 {strides = array<i32>} : memref<16400xi32, #tpu.memory_space<vmem>>, vector<16xi32>, vector<16xi1>
      tpu.vector_store %arg6[%swap3A], %add3A_58 masked %and3A_98 {strides = array<i32>} : memref<16400xi32, #tpu.memory_space<vmem>>, vector<16xi32>, vector<16xi1>
      %jit3A_100 = arith.constant 1 : i32
      %jit3A_101 = arith.constant 0 : i32
      %broadcast_in_dim3A = vector.broadcast %jit3A_100 : i32 to vector<16xi32>
      %broadcast_in_dim3A_102 = vector.broadcast %jit3A_101 : i32 to vector<16xi32>
      %select_n3A_103 = arith.select %and3A_98, %broadcast_in_dim3A, %broadcast_in_dim3A_102 : vector<16xi1>, vector<16xi32>
      %reduce_sum3A = arith.constant true
      %reduce_sum3A_104 = vector.broadcast %reduce_sum3A : i1 to vector<16xi1>
      %reduce_sum3A_105 = tpu.scan <sum>, %select_n3A_103 masked %reduce_sum3A_104 : vector<16xi32>, vector<16xi1> -> vector<16xi32>
      %reduce_sum3A_106 = vector.extract %reduce_sum3A_105[15] : i32 from vector<16xi32>
      %add3A_107 = arith.addi %scan3A_54, %reduce_sum3A_106 : i32
      scf.yield %add3A_107 : i32
    }
    %scan3A_8 = arith.constant 1024 : i32
    %add3A_9 = arith.constant 16 : i32
    %add3A_10 = arith.addi %scan3A_7, %add3A_9 : i32
    %sub3A = arith.constant 1 : i32
    %sub3A_11 = arith.subi %add3A_10, %sub3A : i32
    %jit3A = arith.constant 16 : i32
    %div3A = arith.divsi %sub3A_11, %jit3A : i32
    %sign3A = arith.constant 0 : i32
    %sign3A_12 = arith.cmpi sgt, %sub3A_11, %sign3A : i32
    %sign3A_13 = arith.extui %sign3A_12 : i1 to i32
    %sign3A_14 = arith.constant 0 : i32
    %sign3A_15 = arith.cmpi slt, %sub3A_11, %sign3A_14 : i32
    %sign3A_16 = arith.extui %sign3A_15 : i1 to i32
    %sign3A_17 = arith.subi %sign3A_13, %sign3A_16 : i32
    %sign3A_18 = arith.constant 0 : i32
    %sign3A_19 = arith.cmpi sgt, %jit3A, %sign3A_18 : i32
    %sign3A_20 = arith.extui %sign3A_19 : i1 to i32
    %sign3A_21 = arith.constant 0 : i32
    %sign3A_22 = arith.cmpi slt, %jit3A, %sign3A_21 : i32
    %sign3A_23 = arith.extui %sign3A_22 : i1 to i32
    %sign3A_24 = arith.subi %sign3A_20, %sign3A_23 : i32
    %ne3A = arith.cmpi ne, %sign3A_17, %sign3A_24 : i32
    %rem3A = arith.remsi %sub3A_11, %jit3A : i32
    %ne3A_25 = arith.constant 0 : i32
    %ne3A_26 = arith.cmpi ne, %rem3A, %ne3A_25 : i32
    %and3A = arith.andi %ne3A, %ne3A_26 : i1
    %sub3A_27 = arith.constant 1 : i32
    %sub3A_28 = arith.subi %div3A, %sub3A_27 : i32
    %select_n3A = arith.select %and3A, %sub3A_28, %div3A : i32
    %add3A_29 = arith.constant 0 : i32
    %add3A_30 = arith.addi %mul3A_2, %add3A_29 : i32
    %lt3A = arith.constant 1953 : i32
    %lt3A_31 = arith.cmpi slt, %add3A_30, %lt3A : i32
    %convert_element_type3A = arith.extui %lt3A_31 : i1 to i32
    %cond3A = arith.constant 0 : i32
    %cond3A_32 = arith.cmpi ne, %convert_element_type3A, %cond3A : i32
    scf.if %cond3A_32 {
      %add3A_53 = arith.constant 0 : i32
      %add3A_54 = arith.addi %mul3A_2, %add3A_53 : i32
      %mul3A_55 = arith.constant 512 : i32
      %mul3A_56 = arith.muli %add3A_54, %mul3A_55 : i32
      %dma_start3A = arith.constant 0 : i32
      %dma_start3A_57 = arith.constant 0 : i32
      %dma_start3A_58 = arith.constant 0 : i32
      %dma_start3A_59 = tpu.memref_slice %arg7[%dma_start3A, %dma_start3A_57, %dma_start3A_58] : memref<2x64x512xf32, #tpu.memory_space<vmem>> -> memref<1x64x512xf32, #tpu.memory_space<vmem>>
      %dma_start3A_60 = tpu.memref_squeeze %dma_start3A_59 : memref<1x64x512xf32, #tpu.memory_space<vmem>> -> memref<64x512xf32, #tpu.memory_space<vmem>>
      %dma_start3A_61 = arith.constant 0 : i32
      %dma_start3A_62 = tpu.memref_slice %arg2[%dma_start3A_61, %mul3A_56] : memref<64x1000000xf32, #tpu.memory_space<hbm>> -> memref<64x512xf32, #tpu.memory_space<hbm>>
      %dma_start3A_63 = arith.constant 0 : i32
      %dma_start3A_64 = arith.constant 0 : i32
      %dma_start3A_65 = tpu.memref_slice %arg7[%dma_start3A, %dma_start3A_63, %dma_start3A_64] : memref<2x64x512xf32, #tpu.memory_space<vmem>> -> memref<1x64x512xf32, #tpu.memory_space<vmem>>
      %dma_start3A_66 = tpu.memref_squeeze %dma_start3A_65 : memref<1x64x512xf32, #tpu.memory_space<vmem>> -> memref<64x512xf32, #tpu.memory_space<vmem>>
      %dma_start3A_67 = arith.constant 0 : i32
      %dma_start3A_68 = tpu.memref_slice %arg2[%dma_start3A_67, %mul3A_56] : memref<64x1000000xf32, #tpu.memory_space<hbm>> -> memref<64x512xf32, #tpu.memory_space<hbm>>
      tpu.enqueue_dma source(%dma_start3A_68 : memref<64x512xf32, #tpu.memory_space<hbm>>) target(%dma_start3A_66 : memref<64x512xf32, #tpu.memory_space<vmem>>) target_semaphore(%arg9 : memref<!tpu.dma_semaphore, #tpu.memory_space<semaphore_mem>>)
    } else {
    }
    %add3A_33 = arith.constant 0 : i32
    %add3A_34 = arith.addi %mul3A_2, %add3A_33 : i32
    %eq3A = arith.constant 1953 : i32
    %eq3A_35 = arith.cmpi eq, %add3A_34, %eq3A : i32
    %convert_element_type3A_36 = arith.extui %eq3A_35 : i1 to i32
    %cond3A_37 = arith.constant 0 : i32
    %cond3A_38 = arith.cmpi ne, %convert_element_type3A_36, %cond3A_37 : i32
    scf.if %cond3A_38 {
      %add3A_53 = arith.constant 0 : i32
      %add3A_54 = arith.addi %mul3A_2, %add3A_53 : i32
      %mul3A_55 = arith.constant 512 : i32
      %mul3A_56 = arith.muli %add3A_54, %mul3A_55 : i32
      %dma_start3A = arith.constant 0 : i32
      %dma_start3A_57 = arith.constant 0 : i32
      %dma_start3A_58 = arith.constant 0 : i32
      %dma_start3A_59 = tpu.memref_slice %arg7[%dma_start3A, %dma_start3A_57, %dma_start3A_58] : memref<2x64x512xf32, #tpu.memory_space<vmem>> -> memref<1x64x128xf32, #tpu.memory_space<vmem>>
      %dma_start3A_60 = tpu.memref_squeeze %dma_start3A_59 : memref<1x64x128xf32, #tpu.memory_space<vmem>> -> memref<64x128xf32, #tpu.memory_space<vmem>>
      %dma_start3A_61 = arith.constant 0 : i32
      %dma_start3A_62 = tpu.memref_slice %arg2[%dma_start3A_61, %mul3A_56] : memref<64x1000000xf32, #tpu.memory_space<hbm>> -> memref<64x128xf32, #tpu.memory_space<hbm>>
      %dma_start3A_63 = arith.constant 0 : i32
      %dma_start3A_64 = arith.constant 0 : i32
      %dma_start3A_65 = tpu.memref_slice %arg7[%dma_start3A, %dma_start3A_63, %dma_start3A_64] : memref<2x64x512xf32, #tpu.memory_space<vmem>> -> memref<1x64x128xf32, #tpu.memory_space<vmem>>
      %dma_start3A_66 = tpu.memref_squeeze %dma_start3A_65 : memref<1x64x128xf32, #tpu.memory_space<vmem>> -> memref<64x128xf32, #tpu.memory_space<vmem>>
      %dma_start3A_67 = arith.constant 0 : i32
      %dma_start3A_68 = tpu.memref_slice %arg2[%dma_start3A_67, %mul3A_56] : memref<64x1000000xf32, #tpu.memory_space<hbm>> -> memref<64x128xf32, #tpu.memory_space<hbm>>
      tpu.enqueue_dma source(%dma_start3A_68 : memref<64x128xf32, #tpu.memory_space<hbm>>) target(%dma_start3A_66 : memref<64x128xf32, #tpu.memory_space<vmem>>) target_semaphore(%arg9 : memref<!tpu.dma_semaphore, #tpu.memory_space<semaphore_mem>>)
    } else {
    }
    %scan3A_39 = arith.constant 0 : i32
    %scan3A_40 = arith.constant 0 : i32
    %scan3A_41 = arith.constant 62 : i32
    %scan3A_42 = arith.addi %scan3A_40, %scan3A_41 : i32
    %scan3A_43 = arith.constant 1 : i32
    %scan3A_44 = scf.for %scan3A_53 = %scan3A_40 to %scan3A_42 step %scan3A_43 iter_args(%scan3A_54 = %scan3A_39) -> (i32)  : i32 {
      %add3A_55 = arith.addi %mul3A_2, %scan3A_53 : i32
      %lt3A_56 = arith.constant 1953 : i32
      %lt3A_57 = arith.cmpi slt, %add3A_55, %lt3A_56 : i32
      %convert_element_type3A_58 = arith.extui %lt3A_57 : i1 to i32
      %cond3A_59 = arith.constant 0 : i32
      %cond3A_60 = arith.cmpi ne, %convert_element_type3A_58, %cond3A_59 : i32
      scf.if %cond3A_60 {
        %jit3A_91 = arith.constant 2 : i32
        %eq3A_92 = arith.constant 0 : i32
        %eq3A_93 = arith.cmpi eq, %jit3A_91, %eq3A_92 : i32
        %jit3A_94 = arith.constant 1 : i32
        %select_n3A_95 = arith.select %eq3A_93, %jit3A_94, %jit3A_91 : i32
        %rem3A_96 = arith.remsi %scan3A_53, %select_n3A_95 : i32
        %ne3A_97 = arith.constant 0 : i32
        %ne3A_98 = arith.cmpi ne, %rem3A_96, %ne3A_97 : i32
        %lt3A_99 = arith.constant 0 : i32
        %lt3A_100 = arith.cmpi slt, %rem3A_96, %lt3A_99 : i32
        %lt3A_101 = arith.constant 0 : i32
        %lt3A_102 = arith.cmpi slt, %select_n3A_95, %lt3A_101 : i32
        %ne3A_103 = arith.xori %lt3A_100, %lt3A_102 : i1
        %and3A_104 = arith.andi %ne3A_103, %ne3A_98 : i1
        %add3A_105 = arith.addi %rem3A_96, %select_n3A_95 : i32
        %select_n3A_106 = arith.select %and3A_104, %add3A_105, %rem3A_96 : i32
        %dma_wait3A = arith.constant 0 : i32
        %dma_wait3A_107 = arith.constant 0 : i32
        %dma_wait3A_108 = tpu.memref_slice %arg7[%select_n3A_106, %dma_wait3A, %dma_wait3A_107] : memref<2x64x512xf32, #tpu.memory_space<vmem>> -> memref<1x64x512xf32, #tpu.memory_space<vmem>>
        %dma_wait3A_109 = tpu.memref_squeeze %dma_wait3A_108 : memref<1x64x512xf32, #tpu.memory_space<vmem>> -> memref<64x512xf32, #tpu.memory_space<vmem>>
        %dma_wait3A_110 = arith.constant 0 : i32
        %dma_wait3A_111 = arith.constant 0 : i32
        %dma_wait3A_112 = tpu.memref_slice %arg2[%dma_wait3A_110, %dma_wait3A_111] : memref<64x1000000xf32, #tpu.memory_space<hbm>> -> memref<64x512xf32, #tpu.memory_space<hbm>>
        %dma_wait3A_113 = arith.constant 0 : i32
        %dma_wait3A_114 = arith.constant 0 : i32
        %dma_wait3A_115 = tpu.memref_slice %arg7[%select_n3A_106, %dma_wait3A_113, %dma_wait3A_114] : memref<2x64x512xf32, #tpu.memory_space<vmem>> -> memref<1x64x512xf32, #tpu.memory_space<vmem>>
        %dma_wait3A_116 = tpu.memref_squeeze %dma_wait3A_115 : memref<1x64x512xf32, #tpu.memory_space<vmem>> -> memref<64x512xf32, #tpu.memory_space<vmem>>
        %dma_wait3A_117 = arith.constant 0 : i32
        %dma_wait3A_118 = arith.constant 0 : i32
        %dma_wait3A_119 = tpu.memref_slice %arg2[%dma_wait3A_117, %dma_wait3A_118] : memref<64x1000000xf32, #tpu.memory_space<hbm>> -> memref<64x512xf32, #tpu.memory_space<hbm>>
        tpu.wait_dma2 semaphore(%arg9 : memref<!tpu.dma_semaphore, #tpu.memory_space<semaphore_mem>>) src(%dma_wait3A_119 : memref<64x512xf32, #tpu.memory_space<hbm>>) dst(%dma_wait3A_116 : memref<64x512xf32, #tpu.memory_space<vmem>>)
      } else {
      }
      %add3A_61 = arith.addi %mul3A_2, %scan3A_53 : i32
      %eq3A_62 = arith.constant 1953 : i32
      %eq3A_63 = arith.cmpi eq, %add3A_61, %eq3A_62 : i32
      %convert_element_type3A_64 = arith.extui %eq3A_63 : i1 to i32
      %cond3A_65 = arith.constant 0 : i32
      %cond3A_66 = arith.cmpi ne, %convert_element_type3A_64, %cond3A_65 : i32
      scf.if %cond3A_66 {
        %jit3A_91 = arith.constant 2 : i32
        %eq3A_92 = arith.constant 0 : i32
        %eq3A_93 = arith.cmpi eq, %jit3A_91, %eq3A_92 : i32
        %jit3A_94 = arith.constant 1 : i32
        %select_n3A_95 = arith.select %eq3A_93, %jit3A_94, %jit3A_91 : i32
        %rem3A_96 = arith.remsi %scan3A_53, %select_n3A_95 : i32
        %ne3A_97 = arith.constant 0 : i32
        %ne3A_98 = arith.cmpi ne, %rem3A_96, %ne3A_97 : i32
        %lt3A_99 = arith.constant 0 : i32
        %lt3A_100 = arith.cmpi slt, %rem3A_96, %lt3A_99 : i32
        %lt3A_101 = arith.constant 0 : i32
        %lt3A_102 = arith.cmpi slt, %select_n3A_95, %lt3A_101 : i32
        %ne3A_103 = arith.xori %lt3A_100, %lt3A_102 : i1
        %and3A_104 = arith.andi %ne3A_103, %ne3A_98 : i1
        %add3A_105 = arith.addi %rem3A_96, %select_n3A_95 : i32
        %select_n3A_106 = arith.select %and3A_104, %add3A_105, %rem3A_96 : i32
        %dma_wait3A = arith.constant 0 : i32
        %dma_wait3A_107 = arith.constant 0 : i32
        %dma_wait3A_108 = tpu.memref_slice %arg7[%select_n3A_106, %dma_wait3A, %dma_wait3A_107] : memref<2x64x512xf32, #tpu.memory_space<vmem>> -> memref<1x64x128xf32, #tpu.memory_space<vmem>>
        %dma_wait3A_109 = tpu.memref_squeeze %dma_wait3A_108 : memref<1x64x128xf32, #tpu.memory_space<vmem>> -> memref<64x128xf32, #tpu.memory_space<vmem>>
        %dma_wait3A_110 = arith.constant 0 : i32
        %dma_wait3A_111 = arith.constant 0 : i32
        %dma_wait3A_112 = tpu.memref_slice %arg2[%dma_wait3A_110, %dma_wait3A_111] : memref<64x1000000xf32, #tpu.memory_space<hbm>> -> memref<64x128xf32, #tpu.memory_space<hbm>>
        %dma_wait3A_113 = arith.constant 0 : i32
        %dma_wait3A_114 = arith.constant 0 : i32
        %dma_wait3A_115 = tpu.memref_slice %arg7[%select_n3A_106, %dma_wait3A_113, %dma_wait3A_114] : memref<2x64x512xf32, #tpu.memory_space<vmem>> -> memref<1x64x128xf32, #tpu.memory_space<vmem>>
        %dma_wait3A_116 = tpu.memref_squeeze %dma_wait3A_115 : memref<1x64x128xf32, #tpu.memory_space<vmem>> -> memref<64x128xf32, #tpu.memory_space<vmem>>
        %dma_wait3A_117 = arith.constant 0 : i32
        %dma_wait3A_118 = arith.constant 0 : i32
        %dma_wait3A_119 = tpu.memref_slice %arg2[%dma_wait3A_117, %dma_wait3A_118] : memref<64x1000000xf32, #tpu.memory_space<hbm>> -> memref<64x128xf32, #tpu.memory_space<hbm>>
        tpu.wait_dma2 semaphore(%arg9 : memref<!tpu.dma_semaphore, #tpu.memory_space<semaphore_mem>>) src(%dma_wait3A_119 : memref<64x128xf32, #tpu.memory_space<hbm>>) dst(%dma_wait3A_116 : memref<64x128xf32, #tpu.memory_space<vmem>>)
      } else {
      }
      %add3A_67 = arith.constant 1 : i32
      %add3A_68 = arith.addi %scan3A_53, %add3A_67 : i32
      %add3A_69 = arith.addi %mul3A_2, %add3A_68 : i32
      %lt3A_70 = arith.constant 1953 : i32
      %lt3A_71 = arith.cmpi slt, %add3A_69, %lt3A_70 : i32
      %convert_element_type3A_72 = arith.extui %lt3A_71 : i1 to i32
      %cond3A_73 = arith.constant 0 : i32
      %cond3A_74 = arith.cmpi ne, %convert_element_type3A_72, %cond3A_73 : i32
      scf.if %cond3A_74 {
        %add3A_91 = arith.addi %mul3A_2, %add3A_68 : i32
        %mul3A_92 = arith.constant 512 : i32
        %mul3A_93 = arith.muli %add3A_91, %mul3A_92 : i32
        %jit3A_94 = arith.constant 2 : i32
        %eq3A_95 = arith.constant 0 : i32
        %eq3A_96 = arith.cmpi eq, %jit3A_94, %eq3A_95 : i32
        %jit3A_97 = arith.constant 1 : i32
        %select_n3A_98 = arith.select %eq3A_96, %jit3A_97, %jit3A_94 : i32
        %rem3A_99 = arith.remsi %add3A_68, %select_n3A_98 : i32
        %ne3A_100 = arith.constant 0 : i32
        %ne3A_101 = arith.cmpi ne, %rem3A_99, %ne3A_100 : i32
        %lt3A_102 = arith.constant 0 : i32
        %lt3A_103 = arith.cmpi slt, %rem3A_99, %lt3A_102 : i32
        %lt3A_104 = arith.constant 0 : i32
        %lt3A_105 = arith.cmpi slt, %select_n3A_98, %lt3A_104 : i32
        %ne3A_106 = arith.xori %lt3A_103, %lt3A_105 : i1
        %and3A_107 = arith.andi %ne3A_106, %ne3A_101 : i1
        %add3A_108 = arith.addi %rem3A_99, %select_n3A_98 : i32
        %select_n3A_109 = arith.select %and3A_107, %add3A_108, %rem3A_99 : i32
        %dma_start3A = arith.constant 0 : i32
        %dma_start3A_110 = arith.constant 0 : i32
        %dma_start3A_111 = tpu.memref_slice %arg7[%select_n3A_109, %dma_start3A, %dma_start3A_110] : memref<2x64x512xf32, #tpu.memory_space<vmem>> -> memref<1x64x512xf32, #tpu.memory_space<vmem>>
        %dma_start3A_112 = tpu.memref_squeeze %dma_start3A_111 : memref<1x64x512xf32, #tpu.memory_space<vmem>> -> memref<64x512xf32, #tpu.memory_space<vmem>>
        %dma_start3A_113 = arith.constant 0 : i32
        %dma_start3A_114 = tpu.memref_slice %arg2[%dma_start3A_113, %mul3A_93] : memref<64x1000000xf32, #tpu.memory_space<hbm>> -> memref<64x512xf32, #tpu.memory_space<hbm>>
        %dma_start3A_115 = arith.constant 0 : i32
        %dma_start3A_116 = arith.constant 0 : i32
        %dma_start3A_117 = tpu.memref_slice %arg7[%select_n3A_109, %dma_start3A_115, %dma_start3A_116] : memref<2x64x512xf32, #tpu.memory_space<vmem>> -> memref<1x64x512xf32, #tpu.memory_space<vmem>>
        %dma_start3A_118 = tpu.memref_squeeze %dma_start3A_117 : memref<1x64x512xf32, #tpu.memory_space<vmem>> -> memref<64x512xf32, #tpu.memory_space<vmem>>
        %dma_start3A_119 = arith.constant 0 : i32
        %dma_start3A_120 = tpu.memref_slice %arg2[%dma_start3A_119, %mul3A_93] : memref<64x1000000xf32, #tpu.memory_space<hbm>> -> memref<64x512xf32, #tpu.memory_space<hbm>>
        tpu.enqueue_dma source(%dma_start3A_120 : memref<64x512xf32, #tpu.memory_space<hbm>>) target(%dma_start3A_118 : memref<64x512xf32, #tpu.memory_space<vmem>>) target_semaphore(%arg9 : memref<!tpu.dma_semaphore, #tpu.memory_space<semaphore_mem>>)
      } else {
      }
      %add3A_75 = arith.addi %mul3A_2, %add3A_68 : i32
      %eq3A_76 = arith.constant 1953 : i32
      %eq3A_77 = arith.cmpi eq, %add3A_75, %eq3A_76 : i32
      %convert_element_type3A_78 = arith.extui %eq3A_77 : i1 to i32
      %cond3A_79 = arith.constant 0 : i32
      %cond3A_80 = arith.cmpi ne, %convert_element_type3A_78, %cond3A_79 : i32
      scf.if %cond3A_80 {
        %add3A_91 = arith.addi %mul3A_2, %add3A_68 : i32
        %mul3A_92 = arith.constant 512 : i32
        %mul3A_93 = arith.muli %add3A_91, %mul3A_92 : i32
        %jit3A_94 = arith.constant 2 : i32
        %eq3A_95 = arith.constant 0 : i32
        %eq3A_96 = arith.cmpi eq, %jit3A_94, %eq3A_95 : i32
        %jit3A_97 = arith.constant 1 : i32
        %select_n3A_98 = arith.select %eq3A_96, %jit3A_97, %jit3A_94 : i32
        %rem3A_99 = arith.remsi %add3A_68, %select_n3A_98 : i32
        %ne3A_100 = arith.constant 0 : i32
        %ne3A_101 = arith.cmpi ne, %rem3A_99, %ne3A_100 : i32
        %lt3A_102 = arith.constant 0 : i32
        %lt3A_103 = arith.cmpi slt, %rem3A_99, %lt3A_102 : i32
        %lt3A_104 = arith.constant 0 : i32
        %lt3A_105 = arith.cmpi slt, %select_n3A_98, %lt3A_104 : i32
        %ne3A_106 = arith.xori %lt3A_103, %lt3A_105 : i1
        %and3A_107 = arith.andi %ne3A_106, %ne3A_101 : i1
        %add3A_108 = arith.addi %rem3A_99, %select_n3A_98 : i32
        %select_n3A_109 = arith.select %and3A_107, %add3A_108, %rem3A_99 : i32
        %dma_start3A = arith.constant 0 : i32
        %dma_start3A_110 = arith.constant 0 : i32
        %dma_start3A_111 = tpu.memref_slice %arg7[%select_n3A_109, %dma_start3A, %dma_start3A_110] : memref<2x64x512xf32, #tpu.memory_space<vmem>> -> memref<1x64x128xf32, #tpu.memory_space<vmem>>
        %dma_start3A_112 = tpu.memref_squeeze %dma_start3A_111 : memref<1x64x128xf32, #tpu.memory_space<vmem>> -> memref<64x128xf32, #tpu.memory_space<vmem>>
        %dma_start3A_113 = arith.constant 0 : i32
        %dma_start3A_114 = tpu.memref_slice %arg2[%dma_start3A_113, %mul3A_93] : memref<64x1000000xf32, #tpu.memory_space<hbm>> -> memref<64x128xf32, #tpu.memory_space<hbm>>
        %dma_start3A_115 = arith.constant 0 : i32
        %dma_start3A_116 = arith.constant 0 : i32
        %dma_start3A_117 = tpu.memref_slice %arg7[%select_n3A_109, %dma_start3A_115, %dma_start3A_116] : memref<2x64x512xf32, #tpu.memory_space<vmem>> -> memref<1x64x128xf32, #tpu.memory_space<vmem>>
        %dma_start3A_118 = tpu.memref_squeeze %dma_start3A_117 : memref<1x64x128xf32, #tpu.memory_space<vmem>> -> memref<64x128xf32, #tpu.memory_space<vmem>>
        %dma_start3A_119 = arith.constant 0 : i32
        %dma_start3A_120 = tpu.memref_slice %arg2[%dma_start3A_119, %mul3A_93] : memref<64x1000000xf32, #tpu.memory_space<hbm>> -> memref<64x128xf32, #tpu.memory_space<hbm>>
        tpu.enqueue_dma source(%dma_start3A_120 : memref<64x128xf32, #tpu.memory_space<hbm>>) target(%dma_start3A_118 : memref<64x128xf32, #tpu.memory_space<vmem>>) target_semaphore(%arg9 : memref<!tpu.dma_semaphore, #tpu.memory_space<semaphore_mem>>)
      } else {
      }
      %while3A = arith.constant 0 : i32
      %while3A_81 = arith.subi %select_n3A, %while3A : i32
      %while3A_82 = arith.addi %while3A, %while3A_81 : i32
      %while3A_83 = arith.constant 1 : i32
      %while3A_84 = arith.divsi %while3A_81, %while3A_83 : i32
      %while3A_85 = arith.muli %while3A_84, %while3A_83 : i32
      %while3A_86 = arith.addi %while3A, %while3A_85 : i32
      %while3A_87 = arith.constant 1 : i32
      %while3A_88 = scf.for %while3A_91 = %while3A to %while3A_86 step %while3A_87 iter_args(%while3A_92 = %scan3A_54) -> (i32)  : i32 {
        %mul3A_93 = arith.constant 16 : i32
        %mul3A_94 = arith.muli %while3A_91, %mul3A_93 : i32
        %get3A = arith.index_cast %mul3A_94 : i32 to index
        %get3A_95 = tpu.vector_load %arg6[%get3A] {strides = array<i32>} : memref<16400xi32, #tpu.memory_space<vmem>>, vector<16xi32>,
        %mul3A_96 = arith.constant 16 : i32
        %mul3A_97 = arith.muli %while3A_91, %mul3A_96 : i32
        %add3A_98 = vector.broadcast %mul3A_97 : i32 to vector<16xi32>
        %add3A_99 = arith.addi %iota3A, %add3A_98 : vector<16xi32>
        %lt3A_100 = vector.broadcast %scan3A_7 : i32 to vector<16xi32>
        %lt3A_101 = arith.cmpi slt, %add3A_99, %lt3A_100 : vector<16xi32>
        %jit3A_102 = arith.constant 0 : i32
        %broadcast_in_dim3A = vector.broadcast %jit3A_102 : i32 to vector<16xi32>
        %select_n3A_103 = arith.select %lt3A_101, %get3A_95, %broadcast_in_dim3A : vector<16xi1>, vector<16xi32>
        %gather3A = tpu.vector_load_idx %arg5[%select_n3A_103] : memref<16384xi32, #tpu.memory_space<vmem>>[vector<16xi32>], vector<16xi32>,
        %jit3A_104 = arith.constant 512 : i32
        %div3A_105 = vector.broadcast %jit3A_104 : i32 to vector<16xi32>
        %div3A_106 = arith.divsi %gather3A, %div3A_105 : vector<16xi32>
        %sign3A_107 = arith.constant 0 : i32
        %sign3A_108 = vector.broadcast %sign3A_107 : i32 to vector<16xi32>
        %sign3A_109 = arith.cmpi sgt, %gather3A, %sign3A_108 : vector<16xi32>
        %sign3A_110 = arith.extui %sign3A_109 : vector<16xi1> to vector<16xi32>
        %sign3A_111 = arith.constant 0 : i32
        %sign3A_112 = vector.broadcast %sign3A_111 : i32 to vector<16xi32>
        %sign3A_113 = arith.cmpi slt, %gather3A, %sign3A_112 : vector<16xi32>
        %sign3A_114 = arith.extui %sign3A_113 : vector<16xi1> to vector<16xi32>
        %sign3A_115 = arith.subi %sign3A_110, %sign3A_114 : vector<16xi32>
        %sign3A_116 = arith.constant 0 : i32
        %sign3A_117 = arith.cmpi sgt, %jit3A_104, %sign3A_116 : i32
        %sign3A_118 = arith.extui %sign3A_117 : i1 to i32
        %sign3A_119 = arith.constant 0 : i32
        %sign3A_120 = arith.cmpi slt, %jit3A_104, %sign3A_119 : i32
        %sign3A_121 = arith.extui %sign3A_120 : i1 to i32
        %sign3A_122 = arith.subi %sign3A_118, %sign3A_121 : i32
        %ne3A_123 = vector.broadcast %sign3A_122 : i32 to vector<16xi32>
        %ne3A_124 = arith.cmpi ne, %sign3A_115, %ne3A_123 : vector<16xi32>
        %rem3A_125 = vector.broadcast %jit3A_104 : i32 to vector<16xi32>
        %rem3A_126 = arith.remsi %gather3A, %rem3A_125 : vector<16xi32>
        %ne3A_127 = arith.constant 0 : i32
        %ne3A_128 = vector.broadcast %ne3A_127 : i32 to vector<16xi32>
        %ne3A_129 = arith.cmpi ne, %rem3A_126, %ne3A_128 : vector<16xi32>
        %and3A_130 = arith.andi %ne3A_124, %ne3A_129 : vector<16xi1>
        %sub3A_131 = arith.constant 1 : i32
        %sub3A_132 = vector.broadcast %sub3A_131 : i32 to vector<16xi32>
        %sub3A_133 = arith.subi %div3A_106, %sub3A_132 : vector<16xi32>
        %select_n3A_134 = arith.select %and3A_130, %sub3A_133, %div3A_106 : vector<16xi1>, vector<16xi32>
        %add3A_135 = arith.addi %mul3A_2, %scan3A_53 : i32
        %eq3A_136 = vector.broadcast %add3A_135 : i32 to vector<16xi32>
        %eq3A_137 = arith.cmpi eq, %select_n3A_134, %eq3A_136 : vector<16xi32>
        %and3A_138 = arith.andi %eq3A_137, %lt3A_101 : vector<16xi1>
        %while3A_139:2 = scf.while (%while3A_140 = %and3A_138, %while3A_141 = %while3A_92) : (vector<16xi1>, i32) -> (vector<16xi1>, i32) {
          %reduce_or3A = arith.constant 1.000000e+00 : f32
          %reduce_or3A_142 = arith.constant 0.000000e+00 : f32
          %reduce_or3A_143 = vector.broadcast %reduce_or3A : f32 to vector<16xf32>
          %reduce_or3A_144 = vector.broadcast %reduce_or3A_142 : f32 to vector<16xf32>
          %reduce_or3A_145 = arith.select %while3A_140, %reduce_or3A_143, %reduce_or3A_144 : vector<16xi1>, vector<16xf32>
          %reduce_or3A_146 = arith.constant true
          %reduce_or3A_147 = vector.broadcast %reduce_or3A_146 : i1 to vector<16xi1>
          %reduce_or3A_148 = tpu.scan <max>, %reduce_or3A_145 masked %reduce_or3A_147 : vector<16xf32>, vector<16xi1> -> vector<16xf32>
          %reduce_or3A_149 = vector.extract %reduce_or3A_148[15] : f32 from vector<16xf32>
          %reduce_or3A_150 = arith.constant 0.000000e+00 : f32
          %reduce_or3A_151 = arith.cmpf ogt, %reduce_or3A_149, %reduce_or3A_150 : f32
          scf.condition(%reduce_or3A_151) %while3A_140, %while3A_141 : vector<16xi1>, i32
        } do {
        ^bb0(%while3A_140: vector<16xi1>, %while3A_141: i32):
          %jit3A_142 = arith.constant 1073741824 : i32
          %broadcast_in_dim3A_143 = vector.broadcast %jit3A_142 : i32 to vector<16xi32>
          %select_n3A_144 = arith.select %while3A_140, %get3A_95, %broadcast_in_dim3A_143 : vector<16xi1>, vector<16xi32>
          %reduce_min3A = arith.constant true
          %reduce_min3A_145 = vector.broadcast %reduce_min3A : i1 to vector<16xi1>
          %reduce_min3A_146 = arith.constant -2147483648 : i32
          %reduce_min3A_147 = vector.broadcast %reduce_min3A_146 : i32 to vector<16xi32>
          %reduce_min3A_148 = arith.xori %select_n3A_144, %reduce_min3A_147 : vector<16xi32>
          %reduce_min3A_149 = tpu.scan <min>, %reduce_min3A_148 masked %reduce_min3A_145 : vector<16xi32>, vector<16xi1> -> vector<16xi32>
          %reduce_min3A_150 = arith.xori %reduce_min3A_149, %reduce_min3A_147 : vector<16xi32>
          %reduce_min3A_151 = vector.extract %reduce_min3A_150[15] : i32 from vector<16xi32>
          %eq3A_152 = vector.broadcast %reduce_min3A_151 : i32 to vector<16xi32>
          %eq3A_153 = arith.cmpi eq, %get3A_95, %eq3A_152 : vector<16xi32>
          %jit3A_154 = arith.constant 0 : i32
          %broadcast_in_dim3A_155 = vector.broadcast %jit3A_154 : i32 to vector<16xi32>
          %select_n3A_156 = arith.select %eq3A_153, %gather3A, %broadcast_in_dim3A_155 : vector<16xi1>, vector<16xi32>
          %reduce_sum3A = arith.constant true
          %reduce_sum3A_157 = vector.broadcast %reduce_sum3A : i1 to vector<16xi1>
          %reduce_sum3A_158 = tpu.scan <sum>, %select_n3A_156 masked %reduce_sum3A_157 : vector<16xi32>, vector<16xi1> -> vector<16xi32>
          %reduce_sum3A_159 = vector.extract %reduce_sum3A_158[15] : i32 from vector<16xi32>
          %jit3A_160 = arith.constant 512 : i32
          %eq3A_161 = arith.constant 0 : i32
          %eq3A_162 = arith.cmpi eq, %jit3A_160, %eq3A_161 : i32
          %jit3A_163 = arith.constant 1 : i32
          %select_n3A_164 = arith.select %eq3A_162, %jit3A_163, %jit3A_160 : i32
          %rem3A_165 = arith.remsi %reduce_sum3A_159, %select_n3A_164 : i32
          %ne3A_166 = arith.constant 0 : i32
          %ne3A_167 = arith.cmpi ne, %rem3A_165, %ne3A_166 : i32
          %lt3A_168 = arith.constant 0 : i32
          %lt3A_169 = arith.cmpi slt, %rem3A_165, %lt3A_168 : i32
          %lt3A_170 = arith.constant 0 : i32
          %lt3A_171 = arith.cmpi slt, %select_n3A_164, %lt3A_170 : i32
          %ne3A_172 = arith.xori %lt3A_169, %lt3A_171 : i1
          %and3A_173 = arith.andi %ne3A_172, %ne3A_167 : i1
          %add3A_174 = arith.addi %rem3A_165, %select_n3A_164 : i32
          %select_n3A_175 = arith.select %and3A_173, %add3A_174, %rem3A_165 : i32
          %jit3A_176 = arith.constant 128 : i32
          %eq3A_177 = arith.constant 0 : i32
          %eq3A_178 = arith.cmpi eq, %jit3A_176, %eq3A_177 : i32
          %jit3A_179 = arith.constant 1 : i32
          %select_n3A_180 = arith.select %eq3A_178, %jit3A_179, %jit3A_176 : i32
          %rem3A_181 = arith.remsi %while3A_141, %select_n3A_180 : i32
          %ne3A_182 = arith.constant 0 : i32
          %ne3A_183 = arith.cmpi ne, %rem3A_181, %ne3A_182 : i32
          %lt3A_184 = arith.constant 0 : i32
          %lt3A_185 = arith.cmpi slt, %rem3A_181, %lt3A_184 : i32
          %lt3A_186 = arith.constant 0 : i32
          %lt3A_187 = arith.cmpi slt, %select_n3A_180, %lt3A_186 : i32
          %ne3A_188 = arith.xori %lt3A_185, %lt3A_187 : i1
          %and3A_189 = arith.andi %ne3A_188, %ne3A_183 : i1
          %add3A_190 = arith.addi %rem3A_181, %select_n3A_180 : i32
          %select_n3A_191 = arith.select %and3A_189, %add3A_190, %rem3A_181 : i32
          %jit3A_192 = arith.constant 2 : i32
          %eq3A_193 = arith.constant 0 : i32
          %eq3A_194 = arith.cmpi eq, %jit3A_192, %eq3A_193 : i32
          %jit3A_195 = arith.constant 1 : i32
          %select_n3A_196 = arith.select %eq3A_194, %jit3A_195, %jit3A_192 : i32
          %rem3A_197 = arith.remsi %scan3A_53, %select_n3A_196 : i32
          %ne3A_198 = arith.constant 0 : i32
          %ne3A_199 = arith.cmpi ne, %rem3A_197, %ne3A_198 : i32
          %lt3A_200 = arith.constant 0 : i32
          %lt3A_201 = arith.cmpi slt, %rem3A_197, %lt3A_200 : i32
          %lt3A_202 = arith.constant 0 : i32
          %lt3A_203 = arith.cmpi slt, %select_n3A_196, %lt3A_202 : i32
          %ne3A_204 = arith.xori %lt3A_201, %lt3A_203 : i1
          %and3A_205 = arith.andi %ne3A_204, %ne3A_199 : i1
          %add3A_206 = arith.addi %rem3A_197, %select_n3A_196 : i32
          %select_n3A_207 = arith.select %and3A_205, %add3A_206, %rem3A_197 : i32
          %broadcast_in_dim3A_208 = vector.broadcast %select_n3A_207 : i32 to vector<16xi32>
          %broadcast_in_dim3A_209 = vector.broadcast %select_n3A_175 : i32 to vector<16xi32>
          %add3A_210 = arith.constant 0 : i32
          %add3A_211 = vector.broadcast %add3A_210 : i32 to vector<16xi32>
          %add3A_212 = arith.addi %iota3A, %add3A_211 : vector<16xi32>
          %gather3A_213 = tpu.vector_load_idx %arg7[%broadcast_in_dim3A_208, %add3A_212, %broadcast_in_dim3A_209] : memref<2x64x512xf32, #tpu.memory_space<vmem>>[vector<16xi32>, vector<16xi32>, vector<16xi32>], vector<16xf32>,
          %swap3A = arith.index_cast %select_n3A_191 : i32 to index
          %swap3A_214 = arith.constant 0 : index
          %swap3A_215 = tpu.vector_load %arg8[%swap3A, %swap3A_214] {strides = array<i32>} : memref<128x64xf32, #tpu.memory_space<vmem>>, vector<16xf32>,
          tpu.vector_store %arg8[%swap3A, %swap3A_214], %gather3A_213 {strides = array<i32>} : memref<128x64xf32, #tpu.memory_space<vmem>>, vector<16xf32>,
          %add3A_216 = arith.constant 16 : i32
          %add3A_217 = vector.broadcast %add3A_216 : i32 to vector<16xi32>
          %add3A_218 = arith.addi %iota3A, %add3A_217 : vector<16xi32>
          %gather3A_219 = tpu.vector_load_idx %arg7[%broadcast_in_dim3A_208, %add3A_218, %broadcast_in_dim3A_209] : memref<2x64x512xf32, #tpu.memory_space<vmem>>[vector<16xi32>, vector<16xi32>, vector<16xi32>], vector<16xf32>,
          %swap3A_220 = arith.index_cast %select_n3A_191 : i32 to index
          %swap3A_221 = arith.constant 16 : index
          %swap3A_222 = tpu.vector_load %arg8[%swap3A_220, %swap3A_221] {strides = array<i32>} : memref<128x64xf32, #tpu.memory_space<vmem>>, vector<16xf32>,
          tpu.vector_store %arg8[%swap3A_220, %swap3A_221], %gather3A_219 {strides = array<i32>} : memref<128x64xf32, #tpu.memory_space<vmem>>, vector<16xf32>,
          %add3A_223 = arith.constant 32 : i32
          %add3A_224 = vector.broadcast %add3A_223 : i32 to vector<16xi32>
          %add3A_225 = arith.addi %iota3A, %add3A_224 : vector<16xi32>
          %gather3A_226 = tpu.vector_load_idx %arg7[%broadcast_in_dim3A_208, %add3A_225, %broadcast_in_dim3A_209] : memref<2x64x512xf32, #tpu.memory_space<vmem>>[vector<16xi32>, vector<16xi32>, vector<16xi32>], vector<16xf32>,
          %swap3A_227 = arith.index_cast %select_n3A_191 : i32 to index
          %swap3A_228 = arith.constant 32 : index
          %swap3A_229 = tpu.vector_load %arg8[%swap3A_227, %swap3A_228] {strides = array<i32>} : memref<128x64xf32, #tpu.memory_space<vmem>>, vector<16xf32>,
          tpu.vector_store %arg8[%swap3A_227, %swap3A_228], %gather3A_226 {strides = array<i32>} : memref<128x64xf32, #tpu.memory_space<vmem>>, vector<16xf32>,
          %add3A_230 = arith.constant 48 : i32
          %add3A_231 = vector.broadcast %add3A_230 : i32 to vector<16xi32>
          %add3A_232 = arith.addi %iota3A, %add3A_231 : vector<16xi32>
          %gather3A_233 = tpu.vector_load_idx %arg7[%broadcast_in_dim3A_208, %add3A_232, %broadcast_in_dim3A_209] : memref<2x64x512xf32, #tpu.memory_space<vmem>>[vector<16xi32>, vector<16xi32>, vector<16xi32>], vector<16xf32>,
          %swap3A_234 = arith.index_cast %select_n3A_191 : i32 to index
          %swap3A_235 = arith.constant 48 : index
          %swap3A_236 = tpu.vector_load %arg8[%swap3A_234, %swap3A_235] {strides = array<i32>} : memref<128x64xf32, #tpu.memory_space<vmem>>, vector<16xf32>,
          tpu.vector_store %arg8[%swap3A_234, %swap3A_235], %gather3A_233 {strides = array<i32>} : memref<128x64xf32, #tpu.memory_space<vmem>>, vector<16xf32>,
          %dma_start3A = arith.constant 0 : i32
          %dma_start3A_237 = tpu.memref_slice %arg8[%select_n3A_191, %dma_start3A] : memref<128x64xf32, #tpu.memory_space<vmem>> -> memref<1x64xf32, #tpu.memory_space<vmem>>
          %dma_start3A_238 = arith.constant 0 : i32
          %dma_start3A_239 = tpu.memref_slice %arg4[%reduce_min3A_151, %dma_start3A_238] : memref<16384x64xf32, #tpu.memory_space<hbm>> -> memref<1x64xf32, #tpu.memory_space<hbm>>
          %dma_start3A_240 = arith.constant 0 : i32
          %dma_start3A_241 = tpu.memref_slice %arg4[%reduce_min3A_151, %dma_start3A_240] : memref<16384x64xf32, #tpu.memory_space<hbm>> -> memref<1x64xf32, #tpu.memory_space<hbm>>
          %dma_start3A_242 = arith.constant 0 : i32
          %dma_start3A_243 = tpu.memref_slice %arg8[%select_n3A_191, %dma_start3A_242] : memref<128x64xf32, #tpu.memory_space<vmem>> -> memref<1x64xf32, #tpu.memory_space<vmem>>
          tpu.enqueue_dma source(%dma_start3A_243 : memref<1x64xf32, #tpu.memory_space<vmem>>) target(%dma_start3A_241 : memref<1x64xf32, #tpu.memory_space<hbm>>) target_semaphore(%arg10 : memref<!tpu.dma_semaphore, #tpu.memory_space<semaphore_mem>>)
          %ge3A = arith.constant 64 : i32
          %ge3A_244 = arith.cmpi sge, %while3A_141, %ge3A : i32
          %convert_element_type3A_245 = arith.extui %ge3A_244 : i1 to i32
          %cond3A_246 = arith.constant 0 : i32
          %cond3A_247 = arith.cmpi ne, %convert_element_type3A_245, %cond3A_246 : i32
          scf.if %cond3A_247 {
            %dma_wait3A = arith.constant 0 : i32
            %dma_wait3A_253 = arith.constant 0 : i32
            %dma_wait3A_254 = tpu.memref_slice %arg8[%dma_wait3A, %dma_wait3A_253] : memref<128x64xf32, #tpu.memory_space<vmem>> -> memref<1x64xf32, #tpu.memory_space<vmem>>
            %dma_wait3A_255 = arith.constant 0 : i32
            %dma_wait3A_256 = arith.constant 0 : i32
            %dma_wait3A_257 = tpu.memref_slice %arg4[%dma_wait3A_255, %dma_wait3A_256] : memref<16384x64xf32, #tpu.memory_space<hbm>> -> memref<1x64xf32, #tpu.memory_space<hbm>>
            %dma_wait3A_258 = arith.constant 0 : i32
            %dma_wait3A_259 = arith.constant 0 : i32
            %dma_wait3A_260 = tpu.memref_slice %arg4[%dma_wait3A_258, %dma_wait3A_259] : memref<16384x64xf32, #tpu.memory_space<hbm>> -> memref<1x64xf32, #tpu.memory_space<hbm>>
            %dma_wait3A_261 = arith.constant 0 : i32
            %dma_wait3A_262 = arith.constant 0 : i32
            %dma_wait3A_263 = tpu.memref_slice %arg8[%dma_wait3A_261, %dma_wait3A_262] : memref<128x64xf32, #tpu.memory_space<vmem>> -> memref<1x64xf32, #tpu.memory_space<vmem>>
            tpu.wait_dma2 semaphore(%arg10 : memref<!tpu.dma_semaphore, #tpu.memory_space<semaphore_mem>>) src(%dma_wait3A_263 : memref<1x64xf32, #tpu.memory_space<vmem>>) dst(%dma_wait3A_260 : memref<1x64xf32, #tpu.memory_space<hbm>>)
          } else {
          }
          %ne3A_248 = vector.broadcast %reduce_min3A_151 : i32 to vector<16xi32>
          %ne3A_249 = arith.cmpi ne, %get3A_95, %ne3A_248 : vector<16xi32>
          %and3A_250 = arith.andi %while3A_140, %ne3A_249 : vector<16xi1>
          %add3A_251 = arith.constant 1 : i32
          %add3A_252 = arith.addi %while3A_141, %add3A_251 : i32
          scf.yield %and3A_250, %add3A_252 : vector<16xi1>, i32
        }
        scf.yield %while3A_139#1 : i32
      }
      %while3A_89 = arith.constant 1 : i32
      %while3A_90 = scf.for %while3A_91 = %while3A_86 to %while3A_82 step %while3A_89 iter_args(%while3A_92 = %while3A_88) -> (i32)  : i32 {
        %mul3A_93 = arith.constant 16 : i32
        %mul3A_94 = arith.muli %while3A_91, %mul3A_93 : i32
        %get3A = arith.index_cast %mul3A_94 : i32 to index
        %get3A_95 = tpu.vector_load %arg6[%get3A] {strides = array<i32>} : memref<16400xi32, #tpu.memory_space<vmem>>, vector<16xi32>,
        %mul3A_96 = arith.constant 16 : i32
        %mul3A_97 = arith.muli %while3A_91, %mul3A_96 : i32
        %add3A_98 = vector.broadcast %mul3A_97 : i32 to vector<16xi32>
        %add3A_99 = arith.addi %iota3A, %add3A_98 : vector<16xi32>
        %lt3A_100 = vector.broadcast %scan3A_7 : i32 to vector<16xi32>
        %lt3A_101 = arith.cmpi slt, %add3A_99, %lt3A_100 : vector<16xi32>
        %jit3A_102 = arith.constant 0 : i32
        %broadcast_in_dim3A = vector.broadcast %jit3A_102 : i32 to vector<16xi32>
        %select_n3A_103 = arith.select %lt3A_101, %get3A_95, %broadcast_in_dim3A : vector<16xi1>, vector<16xi32>
        %gather3A = tpu.vector_load_idx %arg5[%select_n3A_103] : memref<16384xi32, #tpu.memory_space<vmem>>[vector<16xi32>], vector<16xi32>,
        %jit3A_104 = arith.constant 512 : i32
        %div3A_105 = vector.broadcast %jit3A_104 : i32 to vector<16xi32>
        %div3A_106 = arith.divsi %gather3A, %div3A_105 : vector<16xi32>
        %sign3A_107 = arith.constant 0 : i32
        %sign3A_108 = vector.broadcast %sign3A_107 : i32 to vector<16xi32>
        %sign3A_109 = arith.cmpi sgt, %gather3A, %sign3A_108 : vector<16xi32>
        %sign3A_110 = arith.extui %sign3A_109 : vector<16xi1> to vector<16xi32>
        %sign3A_111 = arith.constant 0 : i32
        %sign3A_112 = vector.broadcast %sign3A_111 : i32 to vector<16xi32>
        %sign3A_113 = arith.cmpi slt, %gather3A, %sign3A_112 : vector<16xi32>
        %sign3A_114 = arith.extui %sign3A_113 : vector<16xi1> to vector<16xi32>
        %sign3A_115 = arith.subi %sign3A_110, %sign3A_114 : vector<16xi32>
        %sign3A_116 = arith.constant 0 : i32
        %sign3A_117 = arith.cmpi sgt, %jit3A_104, %sign3A_116 : i32
        %sign3A_118 = arith.extui %sign3A_117 : i1 to i32
        %sign3A_119 = arith.constant 0 : i32
        %sign3A_120 = arith.cmpi slt, %jit3A_104, %sign3A_119 : i32
        %sign3A_121 = arith.extui %sign3A_120 : i1 to i32
        %sign3A_122 = arith.subi %sign3A_118, %sign3A_121 : i32
        %ne3A_123 = vector.broadcast %sign3A_122 : i32 to vector<16xi32>
        %ne3A_124 = arith.cmpi ne, %sign3A_115, %ne3A_123 : vector<16xi32>
        %rem3A_125 = vector.broadcast %jit3A_104 : i32 to vector<16xi32>
        %rem3A_126 = arith.remsi %gather3A, %rem3A_125 : vector<16xi32>
        %ne3A_127 = arith.constant 0 : i32
        %ne3A_128 = vector.broadcast %ne3A_127 : i32 to vector<16xi32>
        %ne3A_129 = arith.cmpi ne, %rem3A_126, %ne3A_128 : vector<16xi32>
        %and3A_130 = arith.andi %ne3A_124, %ne3A_129 : vector<16xi1>
        %sub3A_131 = arith.constant 1 : i32
        %sub3A_132 = vector.broadcast %sub3A_131 : i32 to vector<16xi32>
        %sub3A_133 = arith.subi %div3A_106, %sub3A_132 : vector<16xi32>
        %select_n3A_134 = arith.select %and3A_130, %sub3A_133, %div3A_106 : vector<16xi1>, vector<16xi32>
        %add3A_135 = arith.addi %mul3A_2, %scan3A_53 : i32
        %eq3A_136 = vector.broadcast %add3A_135 : i32 to vector<16xi32>
        %eq3A_137 = arith.cmpi eq, %select_n3A_134, %eq3A_136 : vector<16xi32>
        %and3A_138 = arith.andi %eq3A_137, %lt3A_101 : vector<16xi1>
        %while3A_139:2 = scf.while (%while3A_140 = %and3A_138, %while3A_141 = %while3A_92) : (vector<16xi1>, i32) -> (vector<16xi1>, i32) {
          %reduce_or3A = arith.constant 1.000000e+00 : f32
          %reduce_or3A_142 = arith.constant 0.000000e+00 : f32
          %reduce_or3A_143 = vector.broadcast %reduce_or3A : f32 to vector<16xf32>
          %reduce_or3A_144 = vector.broadcast %reduce_or3A_142 : f32 to vector<16xf32>
          %reduce_or3A_145 = arith.select %while3A_140, %reduce_or3A_143, %reduce_or3A_144 : vector<16xi1>, vector<16xf32>
          %reduce_or3A_146 = arith.constant true
          %reduce_or3A_147 = vector.broadcast %reduce_or3A_146 : i1 to vector<16xi1>
          %reduce_or3A_148 = tpu.scan <max>, %reduce_or3A_145 masked %reduce_or3A_147 : vector<16xf32>, vector<16xi1> -> vector<16xf32>
          %reduce_or3A_149 = vector.extract %reduce_or3A_148[15] : f32 from vector<16xf32>
          %reduce_or3A_150 = arith.constant 0.000000e+00 : f32
          %reduce_or3A_151 = arith.cmpf ogt, %reduce_or3A_149, %reduce_or3A_150 : f32
          scf.condition(%reduce_or3A_151) %while3A_140, %while3A_141 : vector<16xi1>, i32
        } do {
        ^bb0(%while3A_140: vector<16xi1>, %while3A_141: i32):
          %jit3A_142 = arith.constant 1073741824 : i32
          %broadcast_in_dim3A_143 = vector.broadcast %jit3A_142 : i32 to vector<16xi32>
          %select_n3A_144 = arith.select %while3A_140, %get3A_95, %broadcast_in_dim3A_143 : vector<16xi1>, vector<16xi32>
          %reduce_min3A = arith.constant true
          %reduce_min3A_145 = vector.broadcast %reduce_min3A : i1 to vector<16xi1>
          %reduce_min3A_146 = arith.constant -2147483648 : i32
          %reduce_min3A_147 = vector.broadcast %reduce_min3A_146 : i32 to vector<16xi32>
          %reduce_min3A_148 = arith.xori %select_n3A_144, %reduce_min3A_147 : vector<16xi32>
          %reduce_min3A_149 = tpu.scan <min>, %reduce_min3A_148 masked %reduce_min3A_145 : vector<16xi32>, vector<16xi1> -> vector<16xi32>
          %reduce_min3A_150 = arith.xori %reduce_min3A_149, %reduce_min3A_147 : vector<16xi32>
          %reduce_min3A_151 = vector.extract %reduce_min3A_150[15] : i32 from vector<16xi32>
          %eq3A_152 = vector.broadcast %reduce_min3A_151 : i32 to vector<16xi32>
          %eq3A_153 = arith.cmpi eq, %get3A_95, %eq3A_152 : vector<16xi32>
          %jit3A_154 = arith.constant 0 : i32
          %broadcast_in_dim3A_155 = vector.broadcast %jit3A_154 : i32 to vector<16xi32>
          %select_n3A_156 = arith.select %eq3A_153, %gather3A, %broadcast_in_dim3A_155 : vector<16xi1>, vector<16xi32>
          %reduce_sum3A = arith.constant true
          %reduce_sum3A_157 = vector.broadcast %reduce_sum3A : i1 to vector<16xi1>
          %reduce_sum3A_158 = tpu.scan <sum>, %select_n3A_156 masked %reduce_sum3A_157 : vector<16xi32>, vector<16xi1> -> vector<16xi32>
          %reduce_sum3A_159 = vector.extract %reduce_sum3A_158[15] : i32 from vector<16xi32>
          %jit3A_160 = arith.constant 512 : i32
          %eq3A_161 = arith.constant 0 : i32
          %eq3A_162 = arith.cmpi eq, %jit3A_160, %eq3A_161 : i32
          %jit3A_163 = arith.constant 1 : i32
          %select_n3A_164 = arith.select %eq3A_162, %jit3A_163, %jit3A_160 : i32
          %rem3A_165 = arith.remsi %reduce_sum3A_159, %select_n3A_164 : i32
          %ne3A_166 = arith.constant 0 : i32
          %ne3A_167 = arith.cmpi ne, %rem3A_165, %ne3A_166 : i32
          %lt3A_168 = arith.constant 0 : i32
          %lt3A_169 = arith.cmpi slt, %rem3A_165, %lt3A_168 : i32
          %lt3A_170 = arith.constant 0 : i32
          %lt3A_171 = arith.cmpi slt, %select_n3A_164, %lt3A_170 : i32
          %ne3A_172 = arith.xori %lt3A_169, %lt3A_171 : i1
          %and3A_173 = arith.andi %ne3A_172, %ne3A_167 : i1
          %add3A_174 = arith.addi %rem3A_165, %select_n3A_164 : i32
          %select_n3A_175 = arith.select %and3A_173, %add3A_174, %rem3A_165 : i32
          %jit3A_176 = arith.constant 128 : i32
          %eq3A_177 = arith.constant 0 : i32
          %eq3A_178 = arith.cmpi eq, %jit3A_176, %eq3A_177 : i32
          %jit3A_179 = arith.constant 1 : i32
          %select_n3A_180 = arith.select %eq3A_178, %jit3A_179, %jit3A_176 : i32
          %rem3A_181 = arith.remsi %while3A_141, %select_n3A_180 : i32
          %ne3A_182 = arith.constant 0 : i32
          %ne3A_183 = arith.cmpi ne, %rem3A_181, %ne3A_182 : i32
          %lt3A_184 = arith.constant 0 : i32
          %lt3A_185 = arith.cmpi slt, %rem3A_181, %lt3A_184 : i32
          %lt3A_186 = arith.constant 0 : i32
          %lt3A_187 = arith.cmpi slt, %select_n3A_180, %lt3A_186 : i32
          %ne3A_188 = arith.xori %lt3A_185, %lt3A_187 : i1
          %and3A_189 = arith.andi %ne3A_188, %ne3A_183 : i1
          %add3A_190 = arith.addi %rem3A_181, %select_n3A_180 : i32
          %select_n3A_191 = arith.select %and3A_189, %add3A_190, %rem3A_181 : i32
          %jit3A_192 = arith.constant 2 : i32
          %eq3A_193 = arith.constant 0 : i32
          %eq3A_194 = arith.cmpi eq, %jit3A_192, %eq3A_193 : i32
          %jit3A_195 = arith.constant 1 : i32
          %select_n3A_196 = arith.select %eq3A_194, %jit3A_195, %jit3A_192 : i32
          %rem3A_197 = arith.remsi %scan3A_53, %select_n3A_196 : i32
          %ne3A_198 = arith.constant 0 : i32
          %ne3A_199 = arith.cmpi ne, %rem3A_197, %ne3A_198 : i32
          %lt3A_200 = arith.constant 0 : i32
          %lt3A_201 = arith.cmpi slt, %rem3A_197, %lt3A_200 : i32
          %lt3A_202 = arith.constant 0 : i32
          %lt3A_203 = arith.cmpi slt, %select_n3A_196, %lt3A_202 : i32
          %ne3A_204 = arith.xori %lt3A_201, %lt3A_203 : i1
          %and3A_205 = arith.andi %ne3A_204, %ne3A_199 : i1
          %add3A_206 = arith.addi %rem3A_197, %select_n3A_196 : i32
          %select_n3A_207 = arith.select %and3A_205, %add3A_206, %rem3A_197 : i32
          %broadcast_in_dim3A_208 = vector.broadcast %select_n3A_207 : i32 to vector<16xi32>
          %broadcast_in_dim3A_209 = vector.broadcast %select_n3A_175 : i32 to vector<16xi32>
          %add3A_210 = arith.constant 0 : i32
          %add3A_211 = vector.broadcast %add3A_210 : i32 to vector<16xi32>
          %add3A_212 = arith.addi %iota3A, %add3A_211 : vector<16xi32>
          %gather3A_213 = tpu.vector_load_idx %arg7[%broadcast_in_dim3A_208, %add3A_212, %broadcast_in_dim3A_209] : memref<2x64x512xf32, #tpu.memory_space<vmem>>[vector<16xi32>, vector<16xi32>, vector<16xi32>], vector<16xf32>,
          %swap3A = arith.index_cast %select_n3A_191 : i32 to index
          %swap3A_214 = arith.constant 0 : index
          %swap3A_215 = tpu.vector_load %arg8[%swap3A, %swap3A_214] {strides = array<i32>} : memref<128x64xf32, #tpu.memory_space<vmem>>, vector<16xf32>,
          tpu.vector_store %arg8[%swap3A, %swap3A_214], %gather3A_213 {strides = array<i32>} : memref<128x64xf32, #tpu.memory_space<vmem>>, vector<16xf32>,
          %add3A_216 = arith.constant 16 : i32
          %add3A_217 = vector.broadcast %add3A_216 : i32 to vector<16xi32>
          %add3A_218 = arith.addi %iota3A, %add3A_217 : vector<16xi32>
          %gather3A_219 = tpu.vector_load_idx %arg7[%broadcast_in_dim3A_208, %add3A_218, %broadcast_in_dim3A_209] : memref<2x64x512xf32, #tpu.memory_space<vmem>>[vector<16xi32>, vector<16xi32>, vector<16xi32>], vector<16xf32>,
          %swap3A_220 = arith.index_cast %select_n3A_191 : i32 to index
          %swap3A_221 = arith.constant 16 : index
          %swap3A_222 = tpu.vector_load %arg8[%swap3A_220, %swap3A_221] {strides = array<i32>} : memref<128x64xf32, #tpu.memory_space<vmem>>, vector<16xf32>,
          tpu.vector_store %arg8[%swap3A_220, %swap3A_221], %gather3A_219 {strides = array<i32>} : memref<128x64xf32, #tpu.memory_space<vmem>>, vector<16xf32>,
          %add3A_223 = arith.constant 32 : i32
          %add3A_224 = vector.broadcast %add3A_223 : i32 to vector<16xi32>
          %add3A_225 = arith.addi %iota3A, %add3A_224 : vector<16xi32>
          %gather3A_226 = tpu.vector_load_idx %arg7[%broadcast_in_dim3A_208, %add3A_225, %broadcast_in_dim3A_209] : memref<2x64x512xf32, #tpu.memory_space<vmem>>[vector<16xi32>, vector<16xi32>, vector<16xi32>], vector<16xf32>,
          %swap3A_227 = arith.index_cast %select_n3A_191 : i32 to index
          %swap3A_228 = arith.constant 32 : index
          %swap3A_229 = tpu.vector_load %arg8[%swap3A_227, %swap3A_228] {strides = array<i32>} : memref<128x64xf32, #tpu.memory_space<vmem>>, vector<16xf32>,
          tpu.vector_store %arg8[%swap3A_227, %swap3A_228], %gather3A_226 {strides = array<i32>} : memref<128x64xf32, #tpu.memory_space<vmem>>, vector<16xf32>,
          %add3A_230 = arith.constant 48 : i32
          %add3A_231 = vector.broadcast %add3A_230 : i32 to vector<16xi32>
          %add3A_232 = arith.addi %iota3A, %add3A_231 : vector<16xi32>
          %gather3A_233 = tpu.vector_load_idx %arg7[%broadcast_in_dim3A_208, %add3A_232, %broadcast_in_dim3A_209] : memref<2x64x512xf32, #tpu.memory_space<vmem>>[vector<16xi32>, vector<16xi32>, vector<16xi32>], vector<16xf32>,
          %swap3A_234 = arith.index_cast %select_n3A_191 : i32 to index
          %swap3A_235 = arith.constant 48 : index
          %swap3A_236 = tpu.vector_load %arg8[%swap3A_234, %swap3A_235] {strides = array<i32>} : memref<128x64xf32, #tpu.memory_space<vmem>>, vector<16xf32>,
          tpu.vector_store %arg8[%swap3A_234, %swap3A_235], %gather3A_233 {strides = array<i32>} : memref<128x64xf32, #tpu.memory_space<vmem>>, vector<16xf32>,
          %dma_start3A = arith.constant 0 : i32
          %dma_start3A_237 = tpu.memref_slice %arg8[%select_n3A_191, %dma_start3A] : memref<128x64xf32, #tpu.memory_space<vmem>> -> memref<1x64xf32, #tpu.memory_space<vmem>>
          %dma_start3A_238 = arith.constant 0 : i32
          %dma_start3A_239 = tpu.memref_slice %arg4[%reduce_min3A_151, %dma_start3A_238] : memref<16384x64xf32, #tpu.memory_space<hbm>> -> memref<1x64xf32, #tpu.memory_space<hbm>>
          %dma_start3A_240 = arith.constant 0 : i32
          %dma_start3A_241 = tpu.memref_slice %arg4[%reduce_min3A_151, %dma_start3A_240] : memref<16384x64xf32, #tpu.memory_space<hbm>> -> memref<1x64xf32, #tpu.memory_space<hbm>>
          %dma_start3A_242 = arith.constant 0 : i32
          %dma_start3A_243 = tpu.memref_slice %arg8[%select_n3A_191, %dma_start3A_242] : memref<128x64xf32, #tpu.memory_space<vmem>> -> memref<1x64xf32, #tpu.memory_space<vmem>>
          tpu.enqueue_dma source(%dma_start3A_243 : memref<1x64xf32, #tpu.memory_space<vmem>>) target(%dma_start3A_241 : memref<1x64xf32, #tpu.memory_space<hbm>>) target_semaphore(%arg10 : memref<!tpu.dma_semaphore, #tpu.memory_space<semaphore_mem>>)
          %ge3A = arith.constant 64 : i32
          %ge3A_244 = arith.cmpi sge, %while3A_141, %ge3A : i32
          %convert_element_type3A_245 = arith.extui %ge3A_244 : i1 to i32
          %cond3A_246 = arith.constant 0 : i32
          %cond3A_247 = arith.cmpi ne, %convert_element_type3A_245, %cond3A_246 : i32
          scf.if %cond3A_247 {
            %dma_wait3A = arith.constant 0 : i32
            %dma_wait3A_253 = arith.constant 0 : i32
            %dma_wait3A_254 = tpu.memref_slice %arg8[%dma_wait3A, %dma_wait3A_253] : memref<128x64xf32, #tpu.memory_space<vmem>> -> memref<1x64xf32, #tpu.memory_space<vmem>>
            %dma_wait3A_255 = arith.constant 0 : i32
            %dma_wait3A_256 = arith.constant 0 : i32
            %dma_wait3A_257 = tpu.memref_slice %arg4[%dma_wait3A_255, %dma_wait3A_256] : memref<16384x64xf32, #tpu.memory_space<hbm>> -> memref<1x64xf32, #tpu.memory_space<hbm>>
            %dma_wait3A_258 = arith.constant 0 : i32
            %dma_wait3A_259 = arith.constant 0 : i32
            %dma_wait3A_260 = tpu.memref_slice %arg4[%dma_wait3A_258, %dma_wait3A_259] : memref<16384x64xf32, #tpu.memory_space<hbm>> -> memref<1x64xf32, #tpu.memory_space<hbm>>
            %dma_wait3A_261 = arith.constant 0 : i32
            %dma_wait3A_262 = arith.constant 0 : i32
            %dma_wait3A_263 = tpu.memref_slice %arg8[%dma_wait3A_261, %dma_wait3A_262] : memref<128x64xf32, #tpu.memory_space<vmem>> -> memref<1x64xf32, #tpu.memory_space<vmem>>
            tpu.wait_dma2 semaphore(%arg10 : memref<!tpu.dma_semaphore, #tpu.memory_space<semaphore_mem>>) src(%dma_wait3A_263 : memref<1x64xf32, #tpu.memory_space<vmem>>) dst(%dma_wait3A_260 : memref<1x64xf32, #tpu.memory_space<hbm>>)
          } else {
          }
          %ne3A_248 = vector.broadcast %reduce_min3A_151 : i32 to vector<16xi32>
          %ne3A_249 = arith.cmpi ne, %get3A_95, %ne3A_248 : vector<16xi32>
          %and3A_250 = arith.andi %while3A_140, %ne3A_249 : vector<16xi1>
          %add3A_251 = arith.constant 1 : i32
          %add3A_252 = arith.addi %while3A_141, %add3A_251 : i32
          scf.yield %and3A_250, %add3A_252 : vector<16xi1>, i32
        }
        scf.yield %while3A_139#1 : i32
      }
      scf.yield %while3A_90 : i32
    }
    %scan3A_45 = arith.constant 62 : i32
    %scan3A_46 = arith.constant 0 : i32
    %scan3A_47 = arith.constant 0 : i32
    %scan3A_48 = arith.constant 64 : i32
    %scan3A_49 = arith.addi %scan3A_47, %scan3A_48 : i32
    %scan3A_50 = arith.constant 1 : i32
    %scan3A_51 = scf.for %scan3A_53 = %scan3A_47 to %scan3A_49 step %scan3A_50 iter_args(%scan3A_54 = %scan3A_46) -> (i32)  : i32 {
      %min3A = arith.constant 64 : i32
      %min3A_55 = arith.minsi %scan3A_44, %min3A : i32
      %lt3A_56 = arith.cmpi slt, %scan3A_53, %min3A_55 : i32
      %convert_element_type3A_57 = arith.extui %lt3A_56 : i1 to i32
      %cond3A_58 = arith.constant 0 : i32
      %cond3A_59 = arith.cmpi ne, %convert_element_type3A_57, %cond3A_58 : i32
      scf.if %cond3A_59 {
        %dma_wait3A = arith.constant 0 : i32
        %dma_wait3A_61 = arith.constant 0 : i32
        %dma_wait3A_62 = tpu.memref_slice %arg8[%dma_wait3A, %dma_wait3A_61] : memref<128x64xf32, #tpu.memory_space<vmem>> -> memref<1x64xf32, #tpu.memory_space<vmem>>
        %dma_wait3A_63 = arith.constant 0 : i32
        %dma_wait3A_64 = arith.constant 0 : i32
        %dma_wait3A_65 = tpu.memref_slice %arg4[%dma_wait3A_63, %dma_wait3A_64] : memref<16384x64xf32, #tpu.memory_space<hbm>> -> memref<1x64xf32, #tpu.memory_space<hbm>>
        %dma_wait3A_66 = arith.constant 0 : i32
        %dma_wait3A_67 = arith.constant 0 : i32
        %dma_wait3A_68 = tpu.memref_slice %arg4[%dma_wait3A_66, %dma_wait3A_67] : memref<16384x64xf32, #tpu.memory_space<hbm>> -> memref<1x64xf32, #tpu.memory_space<hbm>>
        %dma_wait3A_69 = arith.constant 0 : i32
        %dma_wait3A_70 = arith.constant 0 : i32
        %dma_wait3A_71 = tpu.memref_slice %arg8[%dma_wait3A_69, %dma_wait3A_70] : memref<128x64xf32, #tpu.memory_space<vmem>> -> memref<1x64xf32, #tpu.memory_space<vmem>>
        tpu.wait_dma2 semaphore(%arg10 : memref<!tpu.dma_semaphore, #tpu.memory_space<semaphore_mem>>) src(%dma_wait3A_71 : memref<1x64xf32, #tpu.memory_space<vmem>>) dst(%dma_wait3A_68 : memref<1x64xf32, #tpu.memory_space<hbm>>)
      } else {
      }
      %scan3A_60 = arith.constant 0 : i32
      scf.yield %scan3A_60 : i32
    }
    %scan3A_52 = arith.constant 64 : i32
    return
  }
}

module attributes {stable_mosaic.version = 14 : i64} {
  func.func @_tc_body(%arg0: i32, %arg1: memref<2048x128xf32, #tpu.memory_space<vmem>>, %arg2: memref<2048x64xf32, #tpu.memory_space<vmem>>, %arg3: memref<2048x1xf32, #tpu.memory_space<vmem>>, %arg4: memref<1x64xf32, #tpu.memory_space<vmem>>, %arg5: memref<1x64xf32, #tpu.memory_space<vmem>>, %arg6: memref<64x64xf32, #tpu.memory_space<vmem>>, %arg7: memref<1x64xf32, #tpu.memory_space<vmem>>, %arg8: memref<256x128xf32, #tpu.memory_space<vmem>>, %arg9: memref<2048x128xf32, #tpu.memory_space<vmem>>) attributes {dimension_semantics = [#tpu.dimension_semantics<arbitrary>], iteration_bounds = array<i64: 8>, scalar_prefetch = 0 : i64, scratch_operands = 0 : i64, tpu.core_type = #tpu.core_type<tc>, window_params = [{transform_indices = @transform_0, window_bounds = array<i64: 2048, 128>}, {transform_indices = @transform_1, window_bounds = array<i64: 2048, 64>}, {transform_indices = @transform_2, window_bounds = array<i64: 2048, 1>}, {pipeline_mode = #tpu.pipeline_mode<synchronous>, transform_indices = @transform_3, window_bounds = array<i64: 1, 64>}, {pipeline_mode = #tpu.pipeline_mode<synchronous>, transform_indices = @transform_4, window_bounds = array<i64: 1, 64>}, {pipeline_mode = #tpu.pipeline_mode<synchronous>, transform_indices = @transform_5, window_bounds = array<i64: 64, 64>}, {pipeline_mode = #tpu.pipeline_mode<synchronous>, transform_indices = @transform_6, window_bounds = array<i64: 1, 64>}, {pipeline_mode = #tpu.pipeline_mode<synchronous>, transform_indices = @transform_7, window_bounds = array<i64: 256, 128>}, {transform_indices = @transform_8, window_bounds = array<i64: 2048, 128>}]} {
    %get3A = arith.constant 0 : index
    %get3A_0 = arith.constant 0 : index
    %get3A_1 = vector.load %arg3[%get3A, %get3A_0] : memref<2048x1xf32, #tpu.memory_space<vmem>>, vector<2048x1xf32>
    %get3A_2 = arith.constant 0 : index
    %get3A_3 = arith.constant 0 : index
    %get3A_4 = vector.load %arg4[%get3A_2, %get3A_3] : memref<1x64xf32, #tpu.memory_space<vmem>>, vector<1x64xf32>
    %mul3A = vector.broadcast %get3A_1 : vector<2048x1xf32> to vector<2048x64xf32>
    %mul3A_5 = vector.broadcast %get3A_4 : vector<1x64xf32> to vector<2048x64xf32>
    %mul3A_6 = arith.mulf %mul3A, %mul3A_5 : vector<2048x64xf32>
    %get3A_7 = arith.constant 0 : index
    %get3A_8 = arith.constant 0 : index
    %get3A_9 = vector.load %arg5[%get3A_7, %get3A_8] : memref<1x64xf32, #tpu.memory_space<vmem>>, vector<1x64xf32>
    %add3A = vector.broadcast %get3A_9 : vector<1x64xf32> to vector<2048x64xf32>
    %add3A_10 = arith.addf %mul3A_6, %add3A : vector<2048x64xf32>
    %logistic3A = arith.negf %add3A_10 : vector<2048x64xf32>
    %logistic3A_11 = math.exp %logistic3A : vector<2048x64xf32>
    %logistic3A_12 = arith.constant 1.000000e+00 : f32
    %logistic3A_13 = vector.broadcast %logistic3A_12 : f32 to vector<2048x64xf32>
    %logistic3A_14 = arith.addf %logistic3A_13, %logistic3A_11 : vector<2048x64xf32>
    %logistic3A_15 = arith.divf %logistic3A_13, %logistic3A_14 : vector<2048x64xf32>
    %mul3A_16 = arith.mulf %add3A_10, %logistic3A_15 : vector<2048x64xf32>
    %get3A_17 = arith.constant 0 : index
    %get3A_18 = arith.constant 0 : index
    %get3A_19 = vector.load %arg6[%get3A_17, %get3A_18] : memref<64x64xf32, #tpu.memory_space<vmem>>, vector<64x64xf32>
    %dot_general3A = arith.constant dense<0.000000e+00> : vector<2048x64xf32>
    %dot_general3A_20 = tpu.matmul %mul3A_16, %get3A_19, %dot_general3A {dimension_numbers = #tpu.dot_dimension_numbers<[1], [0], [0], [1], [0, 0, 1, 1], [], []>, transpose_lhs_hint = false} : vector<2048x64xf32>, vector<64x64xf32>, vector<2048x64xf32> -> vector<2048x64xf32>
    %get3A_21 = arith.constant 0 : index
    %get3A_22 = arith.constant 0 : index
    %get3A_23 = vector.load %arg7[%get3A_21, %get3A_22] : memref<1x64xf32, #tpu.memory_space<vmem>>, vector<1x64xf32>
    %add3A_24 = vector.broadcast %get3A_23 : vector<1x64xf32> to vector<2048x64xf32>
    %add3A_25 = arith.addf %dot_general3A_20, %add3A_24 : vector<2048x64xf32>
    %get3A_26 = arith.constant 0 : index
    %get3A_27 = arith.constant 0 : index
    %get3A_28 = vector.load %arg8[%get3A_26, %get3A_27] : memref<256x128xf32, #tpu.memory_space<vmem>>, vector<256x128xf32>
    %get3A_29 = arith.constant 0 : index
    %get3A_30 = arith.constant 0 : index
    %get3A_31 = vector.load %arg1[%get3A_29, %get3A_30] : memref<2048x128xf32, #tpu.memory_space<vmem>>, vector<2048x128xf32>
    %slice3A = vector.extract_strided_slice %get3A_28 {offsets = [0, 0], sizes = [128, 128], strides = [1, 1]} : vector<256x128xf32> to vector<128x128xf32>
    %dot_general3A_32 = arith.constant dense<0.000000e+00> : vector<2048x128xf32>
    %dot_general3A_33 = tpu.matmul %get3A_31, %slice3A, %dot_general3A_32 {dimension_numbers = #tpu.dot_dimension_numbers<[1], [0], [0], [1], [0, 0, 1, 1], [], []>, transpose_lhs_hint = false} : vector<2048x128xf32>, vector<128x128xf32>, vector<2048x128xf32> -> vector<2048x128xf32>
    %get3A_34 = arith.constant 0 : index
    %get3A_35 = arith.constant 0 : index
    %get3A_36 = vector.load %arg2[%get3A_34, %get3A_35] : memref<2048x64xf32, #tpu.memory_space<vmem>>, vector<2048x64xf32>
    %slice3A_37 = vector.extract_strided_slice %get3A_28 {offsets = [128, 0], sizes = [64, 128], strides = [1, 1]} : vector<256x128xf32> to vector<64x128xf32>
    %dot_general3A_38 = arith.constant dense<0.000000e+00> : vector<2048x128xf32>
    %dot_general3A_39 = tpu.matmul %get3A_36, %slice3A_37, %dot_general3A_38 {dimension_numbers = #tpu.dot_dimension_numbers<[1], [0], [0], [1], [0, 0, 1, 1], [], []>, transpose_lhs_hint = false} : vector<2048x64xf32>, vector<64x128xf32>, vector<2048x128xf32> -> vector<2048x128xf32>
    %add3A_40 = arith.addf %dot_general3A_33, %dot_general3A_39 : vector<2048x128xf32>
    %slice3A_41 = vector.extract_strided_slice %get3A_28 {offsets = [192, 0], sizes = [64, 128], strides = [1, 1]} : vector<256x128xf32> to vector<64x128xf32>
    %dot_general3A_42 = arith.constant dense<0.000000e+00> : vector<2048x128xf32>
    %dot_general3A_43 = tpu.matmul %add3A_25, %slice3A_41, %dot_general3A_42 {dimension_numbers = #tpu.dot_dimension_numbers<[1], [0], [0], [1], [0, 0, 1, 1], [], []>, transpose_lhs_hint = false} : vector<2048x64xf32>, vector<64x128xf32>, vector<2048x128xf32> -> vector<2048x128xf32>
    %add3A_44 = arith.addf %add3A_40, %dot_general3A_43 : vector<2048x128xf32>
    %swap3A = arith.constant 0 : index
    %swap3A_45 = arith.constant 0 : index
    %swap3A_46 = vector.load %arg9[%swap3A, %swap3A_45] : memref<2048x128xf32, #tpu.memory_space<vmem>>, vector<2048x128xf32>
    tpu.vector_store %arg9[%swap3A, %swap3A_45], %add3A_44 {strides = array<i32>} : memref<2048x128xf32, #tpu.memory_space<vmem>>, vector<2048x128xf32>,
    return
  }
  func.func @transform_0(%arg0: i32) -> (i32, i32) {
    %c0_i32 = arith.constant 0 : i32
    %c0_i32_0 = arith.constant 0 : i32
    return %arg0, %c0_i32 : i32, i32
  }
  func.func @transform_1(%arg0: i32) -> (i32, i32) {
    %c0_i32 = arith.constant 0 : i32
    %c0_i32_0 = arith.constant 0 : i32
    return %arg0, %c0_i32 : i32, i32
  }
  func.func @transform_2(%arg0: i32) -> (i32, i32) {
    %c0_i32 = arith.constant 0 : i32
    %c0_i32_0 = arith.constant 0 : i32
    return %arg0, %c0_i32 : i32, i32
  }
  func.func @transform_3(%arg0: i32) -> (i32, i32) {
    %c0_i32 = arith.constant 0 : i32
    %c0_i32_0 = arith.constant 0 : i32
    %c0_i32_1 = arith.constant 0 : i32
    return %c0_i32, %c0_i32_0 : i32, i32
  }
  func.func @transform_4(%arg0: i32) -> (i32, i32) {
    %c0_i32 = arith.constant 0 : i32
    %c0_i32_0 = arith.constant 0 : i32
    %c0_i32_1 = arith.constant 0 : i32
    return %c0_i32, %c0_i32_0 : i32, i32
  }
  func.func @transform_5(%arg0: i32) -> (i32, i32) {
    %c0_i32 = arith.constant 0 : i32
    %c0_i32_0 = arith.constant 0 : i32
    %c0_i32_1 = arith.constant 0 : i32
    return %c0_i32, %c0_i32_0 : i32, i32
  }
  func.func @transform_6(%arg0: i32) -> (i32, i32) {
    %c0_i32 = arith.constant 0 : i32
    %c0_i32_0 = arith.constant 0 : i32
    %c0_i32_1 = arith.constant 0 : i32
    return %c0_i32, %c0_i32_0 : i32, i32
  }
  func.func @transform_7(%arg0: i32) -> (i32, i32) {
    %c0_i32 = arith.constant 0 : i32
    %c0_i32_0 = arith.constant 0 : i32
    %c0_i32_1 = arith.constant 0 : i32
    return %c0_i32, %c0_i32_0 : i32, i32
  }
  func.func @transform_8(%arg0: i32) -> (i32, i32) {
    %c0_i32 = arith.constant 0 : i32
    %c0_i32_0 = arith.constant 0 : i32
    return %arg0, %c0_i32 : i32, i32
  }
}

</mosaic_0001>

<sc_bundles>
// kernel: kernel.4.cloned.1.call-start
scs
__scs_entry_jumppad:
0x0: {  	(pc) =	sbr.rel $0x88, $3  }
0x1: {  	(tag) =	ssettag $0x0;
	lr =	simm.s32 $0x1  }
0x2: {  	[smem:$0x3F98] =	sst lr;
	_ =	strace $0xD0000000  }
0x3: {  	_ = 	snop  }
0x4: {  	_ = 	snop  }
0x5: {  	_ = 	snop  }
0x6: {  	_ = 	snop  }
0x7: {  	_ = 	snop  }
__scs_overlays_trampoline_lowered:
0x8: {  	[smem:$0x3FA7] =	sst s0  }
0x9: {  	[smem:$0x3FA8] =	sst s1  }
0xa: {  	[smem:$0x3FA9] =	sst s2  }
0xb: {  	[smem:$0x3FAA] =	sst s3  }
0xc: {  	[smem:$0x3FAB] =	sst s4  }
0xd: {  	[smem:$0x3FAC] =	sst s5  }
0xe: {  	[smem:$0x3FAD] =	sst s6  }
0xf: {  	[smem:$0x3FAE] =	sst s7  }
0x10: {  	[smem:$0x3FAF] =	sst s8  }
0x11: {  	[smem:$0x3FB0] =	sst s9;
	s0 =	simm.s32 @!p0 $0x0  }
0x12: {  	s1 =	sld [smem:$0x3F96];
	s0 =	simm.s32 @p0 $0x1  }
0x13: {  	[smem:$0x3FB1] =	sst s0;
	s0 =	simm.s32 @!p1 $0x0  }
0x14: {  	s2 =	sld [smem:$0x3F95];
	s0 =	simm.s32 @p1 $0x1  }
0x15: {  	[smem:$0x3FB2] =	sst s0;
	s0 =	simm.s32 @!p2 $0x0  }
0x16: {  	s3 =	sld [smem:$0x3FDB];
	s0 =	simm.s32 @p2 $0x1  }
0x17: {  	s4 =	simm.s32 $0x1BF5;
	[smem:$0x3FB4] =	sst s0  }
0x18: {  	s0 =	sld [smem:$0x3F97];
	_ =	swait.ge [sflag:s4], $0x0  }
0x19: {  	s7 =	sld [smem:$0x3F98]  }
0x1a: {  	s8 =	sadd.s32 $0xFFFFE003, lr  }
0x1b: {  	s9 =	sadd.s32 $0xFFFFFEF7, lr;
	s5 =	simm.s32 $0xFFFFFFFF;
	p2 =	slt.u32 s8, $0xFFFFF086  }
0x1c: {  	p1 =	slt.u32 s9, $0xF7A;
	s5 =	simm.s32 @!p2 $0x0  }
0x1d: {  	s5 =	simm.s32 @p1 $0x1;
	p0 =	seq.s32 s7, s2  }
0x1e: {  	s7 =	smul.u32 @!p0 $0xF7A, s2;
	p2 =	seq.s32 @!p0 s5, $0x0  }
0x1f: {  	s9 =	smul.u32 $0xF7A, s1;
	s8 =	simm.s32 @!p0 $0x1BF5;
	p2 =	por !p2, p0  }
0x20: {  	[sflag:s8] =	ssyncset.s32 @!p0 $0xFFFFF086;
	s6 =	sadd.s32 @!p0 s3, s7;
	s7 =	simm.s32 @!p0 $0x108  }
0x21: {  	s3 =	sadd.s32 s3, s9;
	s6 =	sadd.s32 @!p0 $0x88, s6;
	s7 =	simm.s32 @p2 $0x1082  }
0x22: {  	[simem:s7], [sflag:s8] =	dma.local @!p0 [hbm:s6], $0xF7A  }
0x23: {  	s9 =	sor.u32 $0xD0000000, s2;
	s6 =	simm.s32 $0x108;
	_ =	swait.ge @!p0 [sflag:s8], $0x0  }
0x24: {  	s3 =	sadd.s32 $0x88, s3;
	s6 =	simm.s32 @!p1 $0x1082;
	[sflag:s4] =	ssyncset.s32 $0xFFFFF086  }
0x25: {  	[simem:s6], [sflag:s4] =	dma.local [hbm:s3], $0xF7A  }
0x26: {  	[smem:$0x3F98] =	sst s1;
	(tag) =	ssettag s2;
	_ =	strace s9  }
0x27: {  	s1 =	sld [smem:$0x3FA8]  }
0x28: {  	s2 =	sld [smem:$0x3FA9]  }
0x29: {  	s4 =	sld [smem:$0x3FAB]  }
0x2a: {  	p0 =	seq.s32 s5, $0x0;
	s5 =	sld [smem:$0x3FAC]  }
0x2b: {  	s6 =	sld [smem:$0x3FAD]  }
0x2c: {  	s7 =	sld [smem:$0x3FAE]  }
0x2d: {  	s3 =	simm.s32 $0x108;
	s8 =	sld [smem:$0x3FAF]  }
0x2e: {  	s3 =	simm.s32 @!p0 $0x1082;
	s9 =	sld [smem:$0x3FB0]  }
0x2f: {  	lr =	sadd.s32 s0, s3;
	s0 =	sld [smem:$0x3FA7]  }
0x30: {  	s3 =	sld [smem:$0x3FAA]  }
0x31: {  	[smem:$0x3FB3] =	sst s10  }
0x32: {  	s10 =	sld [smem:$0x3FB1];
	_ =	sdelay $0x3  }
0x33: {  	p0 =	seq.s32 s10, $0x1;
	s10 =	sld [smem:$0x3FB3];
	_ =	sdelay $0x3  }
0x34: {  	[smem:$0x3FB3] =	sst s10  }
0x35: {  	s10 =	sld [smem:$0x3FB2];
	_ =	sdelay $0x3  }
0x36: {  	p1 =	seq.s32 s10, $0x1;
	s10 =	sld [smem:$0x3FB3];
	_ =	sdelay $0x3  }
0x37: {  	[smem:$0x3FB3] =	sst s10  }
0x38: {  	s10 =	sld [smem:$0x3FB4]  }
0x39: {  	_ = 	snop;
	(pc) =	sbr.ind lr, $3  }
0x3a: {  	_ = 	snop  }
0x3b: {  	_ = 	snop  }
0x3c: {  	p2 =	seq.s32 s10, $0x1;
	s10 =	sld [smem:$0x3FB3]  }
0x3d: {  	_ =	shalt  }
0x3e: {  	_ =	shalt  }
0x3f: {  	_ =	shalt  }
0x40: {  	_ =	shalt  }
0x41: {  	_ =	shalt  }
0x42: {  	_ =	shalt  }
0x43: {  	_ =	shalt  }
0x44: {  	_ =	shalt  }
0x45: {  	_ =	shalt  }
0x46: {  	_ =	shalt  }
0x47: {  	_ =	shalt  }
0x48: {  	_ =	shalt  }
0x49: {  	_ =	shalt  }
0x4a: {  	_ =	shalt  }
0x4b: {  	_ =	shalt  }
0x4c: {  	_ =	shalt  }
0x4d: {  	_ =	shalt  }
0x4e: {  	_ =	shalt  }
0x4f: {  	_ =	shalt  }
0x50: {  	_ =	shalt  }
0x51: {  	_ =	shalt  }
0x52: {  	_ =	shalt  }
0x53: {  	_ =	shalt  }
0x54: {  	_ =	shalt  }
0x55: {  	_ =	shalt  }
0x56: {  	_ =	shalt  }
0x57: {  	_ =	shalt  }
0x58: {  	_ =	shalt  }
0x59: {  	_ =	shalt  }
0x5a: {  	_ =	shalt  }
0x5b: {  	_ =	shalt  }
0x5c: {  	_ =	shalt  }
0x5d: {  	_ =	shalt  }
0x5e: {  	_ =	shalt  }
0x5f: {  	_ =	shalt  }
0x60: {  	_ =	shalt  }
0x61: {  	_ =	shalt  }
0x62: {  	_ =	shalt  }
0x63: {  	_ =	shalt  }
0x64: {  	_ =	shalt  }
0x65: {  	_ =	shalt  }
0x66: {  	_ =	shalt  }
0x67: {  	_ =	shalt  }
0x68: {  	_ =	shalt  }
0x69: {  	_ =	shalt  }
0x6a: {  	_ =	shalt  }
0x6b: {  	_ =	shalt  }
0x6c: {  	_ =	shalt  }
0x6d: {  	_ =	shalt  }
0x6e: {  	_ =	shalt  }
0x6f: {  	_ =	shalt  }
0x70: {  	_ =	shalt  }
0x71: {  	_ =	shalt  }
0x72: {  	_ =	shalt  }
0x73: {  	_ =	shalt  }
0x74: {  	_ =	shalt  }
0x75: {  	_ =	shalt  }
0x76: {  	_ =	shalt  }
0x77: {  	_ =	shalt  }
0x78: {  	_ =	shalt  }
0x79: {  	_ =	shalt  }
0x7a: {  	_ =	shalt  }
0x7b: {  	_ =	shalt  }
0x7c: {  	_ =	shalt  }
0x7d: {  	_ =	shalt  }
0x7e: {  	_ =	shalt  }
0x7f: {  	_ =	shalt  }
0x80: {  	_ =	shalt  }
0x81: {  	_ =	shalt  }
0x82: {  	_ =	shalt  }
0x83: {  	_ =	shalt  }
0x84: {  	_ =	shalt  }
0x85: {  	_ =	shalt  }
0x86: {  	_ =	shalt  }
0x87: {  	_ =	shalt  }
.Lfunc_end0:
.L_simem_size_0:
called_computation_lowered:
.L_overlay_start_0:
0x88: {  	s2 =	sld [smem:$0x3FD9]  }
0x89: {  	s3 =	sld [smem:$0x3FFE];
	_ =	sdelay $0x1  }
0x8a: {  	s1 =	srdreg.scid  }
0x8b: {  	s0 =	sand.u32 $0x1, s1  }
0x8c: {  	s18 =	sshll.u32 s0, $0xA;
	s2 =	sadd.s32 s3, s2  }
0x8d: {  	s2 =	sadd.s32 s2, s18  }
0x8e: {  	[smem:$0x3FBF] =	sst s2  }
0x8f: {  	_ = 	snop  }
0x90: {  	s2 =	sld [smem:$0x3FC8]  }
0x91: {  	s19 =	sld [smem:$0x3FC6]  }
0x92: {  	s4 =	sld [smem:$0x3FD0];
	(tm) =	ssettm $0x1  }
0x93: {  	s5 =	sld [smem:$0x3FFB];
	_ =	sdelay $0x3  }
0x94: {  	_ =	strace s5  }
0x95: {  	s5 =	sld [smem:$0x3FFC];
	_ =	sdelay $0x3  }
0x96: {  	_ =	strace s5  }
0x97: {  	s5 =	sld [smem:$0x3FFD];
	_ =	sdelay $0x3  }
0x98: {  	_ =	strace s5  }
0x99: {  	_ =	strace $0x8FFFFFFF  }
0x9a: {  	s20 =	sld [smem:$0x3FDB];
	_ =	sdelay $0x1  }
0x9b: {  	s6 =	simm.s32 $_scs_section_size  }
0x9c: {  	s7 =	simm.s32 $_size__tile_overlayer_lowered;
	s8 =	simm.s32 $_tile_overlayer_lowered  }
0x9d: {  	s23 =	simm.s32 $0x1BFF;
	s22 =	sshll.u32 s8, $0x1;
	s5 =	sadd.s32 s6, s20  }
0x9e: {  	s9 =	simm.s32 $0x0;
	s21 =	sshll.u32 s7, $0x1;
	s7 =	sadd.s32 s22, s5  }
0x9f: {  	[timem:s9], [sflag:s23] =	dma.local [hbm:s7], s21  }
0xa0: {  	_ =	swait.ge [sflag:s23], s21  }
0xa1: {  	s6 =	ssub.s32 $0x0, s21;
	[sflag:s23] =	ssyncset.done $0x0  }
0xa2: {  	[sflag:s23] =	ssyncadd.s32 s6;
	_ =	sdelay $0x1  }
0xa3: {  	s24 =	simm.s32 $0x1B8B  }
0xa4: {  	_ =	swait.ge [sflag:s24], $0x1  }
0xa5: {  	[sflag:s24] =	ssyncset.done $0x0  }
0xa6: {  	s25 =	simm.s32 $0x1B8E;
	[sflag:s24] =	ssyncadd.s32 $0xFFFFFFFF  }
0xa7: {  	s26 =	simm.s32 $execute0_lowered;
	[smem:$0x3FD2] =	sst s25  }
0xa8: {  	s6 =	sshll.u32 s26, $0x1;
	_ =	strace $0x80000046;
	[dreg:$0x1] =	wrdreg $0xFFFFFFFF  }
0xa9: {  	s28 =	simm.s32 $_size_execute0_lowered;
	s5 =	sadd.s32 s5, s6;
	[dreg:$0x0] =	wrdreg $0x0  }
0xaa: {  	s6 =	sshll.u32 s28, $0x1;
	[dreg:$0x2] =	wrdreg s5  }
0xab: {  	[dreg:$0x3] =	wrdreg s6  }
0xac: {  	[dreg:$0x4] =	wrdreg $0xC0  }
0xad: {  	_ =	task [dreg:s9], $0x5FFFF  }
0xae: {  	[dreg:$0x1] =	wrdreg $0xFFFFFFFF  }
0xaf: {  	[dreg:$0x0] =	wrdreg $0x60  }
0xb0: {  	[dreg:$0x2] =	wrdreg s19  }
0xb1: {  	[dreg:$0x3] =	wrdreg s2  }
0xb2: {  	[dreg:$0x4] =	wrdreg s4  }
0xb3: {  	[dreg:$0x5] =	wrdreg $0x9  }
0xb4: {  	_ =	task.clear_ibuf [dreg:s9], $0x6FFFF;
	_ =	strace $0x90000046  }
0xb5: {  	s29 =	simm.s32 $0x9;
	_ =	strace $0x80000048  }
0xb6: {  	_ =	swait.ge [sflag:s29], $0x1  }
0xb7: {  	[sflag:s29] =	ssyncadd.s32 $0xFFFFFFFF  }
0xb8: {  	_ =	strace $0x90000048  }
0xb9: {  	_ =	sfence  }
0xba: {  	s30 =	sld [smem:$0x0];
	_ =	sdelay $0x2  }
0xbb: {  	s31 =	sshll.u32 s1, $0xD;
	s1 =	sshrl.u32 s1, $0x2  }
0xbc: {  	s3 =	sand.u32 $0x4000, s31;
	s1 =	sadd.s32 s1, s30  }
0xbd: {  	s0 =	sor.u32 s3, s0;
	s1 =	sshll.u32 s1, $0x11  }
0xbe: {  	s0 =	sor.u32 s1, s0  }
0xbf: {  	s0 =	sadd.s32 $0x8F2B, s0  }
0xc0: {  	[sflag:s0] =	ssyncadd.remote.s32 $0x1  }
0xc1: {  	_ =	sfence.sel $0xFFFF  }
0xc2: {  	[dreg:$0x0] =	wrdreg $0xFFFFFFFF;
	(pc) =	sbr.abs _section_cstart, $3  }
0xc3: {  	[dreg:$0x1] =	wrdreg $0xFFFFFFFF  }
0xc4: {  	_ =	task.clear_ibuf [dreg:s9], $0x2FFFF;
	_ =	strace $0x9FFFFFFF  }
0xc5: {  	(tm) =	ssettm $0x7FFFFFFF  }
tec
execute0_lowered:
.L_overlay_start_1:
0x0: {  	(tag) =	ssettag $0x1  }
0x1: {  	v0 =	vimm.s32 $0x1380;
	vm14 =	vcmask $0x300;
	vm13 =	vcmask $0x704  }
0x2: {  	vm12 =	vcmask $0xB08;
	vm11 =	vcmask $0xF0C;
	vm10 =	vcmask $0x1310  }
0x3: {  	vm9 =	vcmask $0x1714;
	vm6 =	vcmask $0x1B18;
	vm7 =	vcmask $0x1F1C  }
0x4: {  	vm8 =	vcmask $0x2320;
	vm5 =	vcmask $0x2724;
	vm4 =	vcmask $0x2B28  }
0x5: {  	vm3 =	vcmask $0x2F2C;
	vm2 =	vcmask $0x3330;
	vm1 =	vcmask $0x3734  }
0x6: {  	vm0 =	vcmask $0x3B38;
	v5 =	vimm.s32 $0x3380;
	v6 =	vimm.s32 $0x5380  }
0x7: {  	v7 =	vimm.s32 $0x7380;
	v8 =	vimm.f32 $0.0e+00;
	v0 =	vsel vm14, $0x0, v0  }
0x8: {  	v5 =	vsel vm14, $0x2000, v5;
	v6 =	vsel vm14, $0x4000, v6;
	v7 =	vsel vm14, $0x6000, v7  }
0x9: {  	v0 =	vsel vm13, $0x80, v0;
	v5 =	vsel vm13, $0x2080, v5;
	v6 =	vsel vm13, $0x4080, v6  }
0xa: {  	v7 =	vsel vm13, $0x6080, v7;
	v0 =	vsel vm12, $0x100, v0;
	v5 =	vsel vm12, $0x2100, v5  }
0xb: {  	v6 =	vsel vm12, $0x4100, v6;
	v7 =	vsel vm12, $0x6100, v7;
	v0 =	vsel vm11, $0x180, v0  }
0xc: {  	v5 =	vsel vm11, $0x2180, v5;
	v6 =	vsel vm11, $0x4180, v6;
	v7 =	vsel vm11, $0x6180, v7  }
0xd: {  	v0 =	vsel vm10, $0x200, v0;
	v5 =	vsel vm10, $0x2200, v5;
	v6 =	vsel vm10, $0x4200, v6  }
0xe: {  	v7 =	vsel vm10, $0x6200, v7;
	v0 =	vsel vm9, $0x280, v0;
	v5 =	vsel vm9, $0x2280, v5  }
0xf: {  	v6 =	vsel vm9, $0x4280, v6;
	v7 =	vsel vm9, $0x6280, v7;
	v0 =	vsel vm6, $0x300, v0  }
0x10: {  	s1 =	srdreg.scid;
	s0 =	stileid.u32;
	v5 =	vsel vm6, $0x2300, v5;
	v6 =	vsel vm6, $0x4300, v6;
	v7 =	vsel vm6, $0x6300, v7  }
0x11: {  	s7 =	sand.u32 $0x1, s1;
	s31 =	sshll.u32 s0, $0x1;
	v0 =	vsel vm7, $0x380, v0;
	v5 =	vsel vm7, $0x2380, v5;
	v6 =	vsel vm7, $0x4380, v6  }
0x12: {  	s8 =	sor.u32 s7, s31;
	v7 =	vsel vm7, $0x6380, v7;
	v0 =	vsel vm8, $0x1000, v0;
	v5 =	vsel vm8, $0x3000, v5  }
0x13: {  	s1 =	smul.u32 $0x3E, s8;
	v6 =	vsel vm8, $0x5000, v6;
	v7 =	vsel vm8, $0x7000, v7;
	v0 =	vsel vm5, $0x1080, v0  }
0x14: {  	v5 =	vsel vm5, $0x3080, v5;
	v6 =	vsel vm5, $0x5080, v6;
	v7 =	vsel vm5, $0x7080, v7  }
0x15: {  	s3 =	rddreg [dreg:$0x1];
	v1 =	vsel vm4, $0x1100, v0;
	v0 =	vmov s1;
	v5 =	vsel vm4, $0x3100, v5  }
0x16: {  	s5 =	rddreg [dreg:$0x2];
	s2 =	sadd.s32 $0x3E, s1;
	v6 =	vsel vm4, $0x5100, v6;
	v7 =	vsel vm4, $0x7100, v7;
	v2 =	vsel vm3, $0x1180, v1  }
0x17: {  	s4 =	rddreg [dreg:$0x3];
	s6 =	simm.s32 $0x0;
	v1 =	vmov s2;
	v5 =	vsel vm3, $0x3180, v5;
	v6 =	vsel vm3, $0x5180, v6  }
0x18: {  	s10 =	simm.s32 $0x3;
	s11 =	simm.s32 $0x1000;
	s7 =	ssub.s32 $0x2, s7;
	v7 =	vsel vm3, $0x7180, v7;
	v3 =	vsel vm2, $0x1200, v2;
	v2 =	vlaneseq.u32  }
0x19: {  	s12 =	simm.s32 $0x7A1400;
	s13 =	simm.s32 $0x8080;
	s9 =	sshrl.u32 s7, $0x1;
	v5 =	vsel vm2, $0x3200, v5;
	v6 =	vsel vm2, $0x5200, v6;
	v7 =	vsel vm2, $0x7200, v7  }
0x1a: {  	[smem:$0x7FF] =	sst s6;
	s8 =	smul.u32 $0x7C00, s8;
	s9 =	ssub.s32 s7, s9;
	v4 =	vsel vm1, $0x1280, v3;
	v3 =	vimm.s32 $0x0;
	v5 =	vsel vm1, $0x3280, v5  }
0x1b: {  	s14 =	simm.s32 $0x0;
	s9 =	smax.u32 s9, $0x1;
	s2 =	rddreg [dreg:$0x0];
	v6 =	vsel vm1, $0x5280, v6;
	v7 =	vsel vm1, $0x7280, v7;
	v4 =	vsel vm0, $0x1300, v4  }
0x1c: {  	_ =	strace $0x80000047;
	s7 =	sadd.s32 s2, s8;
	s8 =	sadd.s32 $0xF4200, s2;
	v5 =	vsel vm0, $0x3300, v5;
	v6 =	vsel vm0, $0x5300, v6;
	v7 =	vsel vm0, $0x7300, v7  }
.LBB2_1:
0x1d: {  	[tilespmem:s6], [sflag:$0x3] =	stream.linear.gather [hbm4b:s3+s6], $0x4000, $0x38;
	[tilespmem:$0x1C080] =	vst v63  }
0x1e: {  	_ =	swait.ge [sflag:s10], $0x4000  }
0x1f: {  	[sflag:s10] =	ssyncset.done $0x0  }
0x20: {  	[sflag:s10] =	ssyncadd.s32 $0xFFFFC000  }
0x21: {  	v9 =	vld [tilespmem:s6+$0x0];
	_ =	sdelay $0x4  }
0x22: {  	v10 =	vshra.s32 v9, $0x1F;
	v11 =	vand.u32 $0x1FF, v9  }
0x23: {  	vm0 =	vlt.s32 v9, $0x1;
	v10 =	vshrl.u32 v10, $0x17;
	vm1 =	vne.s32 v11, $0x0  }
0x24: {  	v9 =	vadd.s32 v10, v9;
	vm0 =	vmand vm0, vm1  }
0x25: {  	v9 =	vshra.s32 v9, $0x9;
	v10 =	vsel vm0, $0xFFFFFFFF, v3  }
0x26: {  	v9 =	vadd.s32 v10, v9  }
0x27: {  	vm14 =	vge.s32 v9, v0;
	vm15 =	vlt.s32 v9, v1  }
0x28: {  	vm0 =	vmand vm14, vm15  }
0x29: {  	v9 =	vsel vm0, $0x1, v3  }
0x2a: {  	(xrf0) =	vadd.scan.msk.s32 $0xffff, v9;
	_ =	sdelay $0x3  }
0x2b: {  	v9 =	vor.u32 s6, v2  }
0x2c: {  	s15 =	simm.s32 $0x10;
	[tilespmem:s6+$0x4000] =	vst.msk vm0, v9  }
0x2d: {  	s17 =	simm.s32 $0x20;
	s16 =	simm.s32 $0x0;
	s18 =	simm.s32 $0x10;
	v9 =	vld [tilespmem:s15+$0x0];
	v10, _, _ =	vpop (xrf0)  }
.LBB2_2:
0x2e: {  	p0 =	sne.s32 s17, $0x3FF0;
	(v2sf) =	vpush v10, $0xF;
	_ =	sdelay $0x3  }
0x2f: {  	v10 =	vshra.s32 v9, $0x1F;
	v11 =	vand.u32 $0x1FF, v9  }
0x30: {  	vm0 =	vlt.s32 v9, $0x1;
	v10 =	vshrl.u32 v10, $0x17;
	vm1 =	vne.s32 v11, $0x0  }
0x31: {  	v9 =	vadd.s32 v10, v9;
	vm0 =	vmand vm0, vm1  }
0x32: {  	v9 =	vshra.s32 v9, $0x9;
	v10 =	vsel vm0, $0xFFFFFFFF, v3  }
0x33: {  	v9 =	vadd.s32 v10, v9  }
0x34: {  	vm0 =	vge.s32 v9, v0;
	vm1 =	vlt.s32 v9, v1  }
0x35: {  	vm0 =	vmand vm0, vm1  }
0x36: {  	v9 =	vsel vm0, $0x1, v3  }
0x37: {  	(xrf0) =	vadd.scan.msk.s32 $0xffff, v9;
	_ =	sdelay $0x1  }
.Ltmp0:
0x38: {  	(pc) =	sbr.rel @p0 .LBB2_2-.Ltmp0, $4  }
0x39: {  	s19 =	spop (v2sf)  }
0x3a: {  	v9 =	vor.u32 s15, v2;
	s15 =	smov.u32 s17;
	s16 =	sadd.s32 s16, s19  }
0x3b: {  	s18 =	sadd.s32 $0x10, s18;
	[tilespmem:s16+$0x4000] =	vst.msk vm0, v9  }
0x3c: {  	s17 =	sadd.s32 $0x10, s17;
	v9 =	vld [tilespmem:s18+$0x0];
	v10, _, _ =	vpop (xrf0)  }
0x3d: {  	_ =	sdelay $0x3  }
0x3e: {  	v11 =	vshra.s32 v9, $0x1F;
	v12 =	vand.u32 $0x1FF, v9  }
0x3f: {  	vm1 =	vlt.s32 v9, $0x1;
	vm0 =	vne.s32 v12, $0x0;
	v11 =	vshrl.u32 v11, $0x17  }
0x40: {  	v9 =	vadd.s32 v11, v9;
	vm0 =	vmand vm1, vm0  }
0x41: {  	v9 =	vshra.s32 v9, $0x9;
	v11 =	vsel vm0, $0xFFFFFFFF, v3  }
0x42: {  	v9 =	vadd.s32 v11, v9  }
0x43: {  	vm14 =	vge.s32 v9, v0;
	vm15 =	vlt.s32 v9, v1  }
0x44: {  	vm0 =	vmand vm14, vm15  }
0x45: {  	v9 =	vsel vm0, $0x1, v3  }
0x46: {  	(xrf0) =	vadd.scan.msk.s32 $0xffff, v9;
	_ =	sdelay $0x2  }
0x47: {  	(v2sf) =	vpush v10, $0xF;
	_ =	sdelay $0x2  }
0x48: {  	v9, _, _ =	vpop (xrf0)  }
0x49: {  	(v2sf) =	vpush v9, $0xF;
	_ =	sdelay $0xa  }
0x4a: {  	s17 =	spop (v2sf)  }
0x4b: {  	s16 =	sadd.s32 s16, s17;
	v9 =	vor.u32 s15, v2  }
0x4c: {  	[tilespmem:s16+$0x4000] =	vst.msk vm0, v9  }
0x4d: {  	[tilespmem:s13], [sflag:$0x1] =	stream.strided.gather [hbm4b:s7+s11], $0x8000, s12, s11, $0x38;
	[tilespmem:$0x1C080] =	vst v63  }
0x4e: {  	s29 =	spop (v2sf)  }
0x4f: {  	s17 =	sadd.s32 s16, s29  }
0x50: {  	s18 =	sadd.s32 $0xF, s17  }
0x51: {  	s19 =	sand.u32 $0xF, s18  }
0x52: {  	s30 =	sshra.s32 s18, $0x1F;
	p1 =	slt.s32 s18, $0x1;
	p0 =	sne.s32 s19, $0x0  }
.Ltmp1:
0x53: {  	s19 =	sshrl.u32 s30, $0x1C;
	p0 =	por !p1, !p0;
	(pc) =	sbr.rel .LBB2_5-.Ltmp1, $4  }
0x54: {  	s31 =	sadd.s32 s19, s18;
	s18 =	simm.s32 $0x1;
	p0 =	por !p0, !p0  }
0x55: {  	s15 =	sshra.s32 s31, $0x4;
	s18 =	simm.s32 @!p0 $0x0  }
0x56: {  	s16 =	ssub.s32 s15, s18  }
0x57: {  	v9 =	vmov s17;
	s17 =	simm.s32 $0x0;
	s15 =	simm.s32 $0x0;
	p0 =	slt.s32 s16, $0x1  }
.LBB2_4:
0x58: {  	p1 =	seq.s32 s17, $0x3E  }
.Ltmp2:
0x59: {  	_ = 	snop;
	(pc) =	sbr.rel @p1 .LBB2_11-.Ltmp2, $1  }
0x5a: {  	_ =	sdelay $0x3  }
.LBB2_5:
0x5b: {  	s18 =	sadd.s32 s1, s17  }
0x5c: {  	p3 =	sgt.u32 s18, $0x7A0  }
0x5d: {  	p1 =	sne.s32 @p3 s18, $0x7A1  }
0x5e: {  	s19 =	smov.u32 s17;
	s17 =	sadd.s32 $0x1, s17;
	p2 =	por p1, !p3  }
0x5f: {  	s21 =	sadd.s32 s1, s17;
	s20 =	simm.s32 @!p2 $0x1  }
0x60: {  	p1 =	sgt.u32 s21, $0x7A0;
	_ =	swait.ge @!p2 [sflag:s20], $0x2000  }
0x61: {  	p4 =	sne.s32 @p1 s21, $0x7A1;
	[sflag:s20] =	ssyncset.done @!p2 $0x0  }
0x62: {  	[sflag:s20] =	ssyncadd.s32 @!p2 $0xFFFFE000;
	s20 =	simm.s32 @!p3 $0x1;
	p2 =	por p4, !p1  }
0x63: {  	_ =	swait.ge @!p3 [sflag:s20], $0x8000;
	s22 =	sshll.u32 @!p2 s17, $0xF  }
0x64: {  	[sflag:s20] =	ssyncset.done @!p3 $0x0;
	s22 =	sand.u32 @!p2 $0x8000, s22  }
0x65: {  	s23 =	simm.s32 @!p2 $0x0;
	[sflag:s20] =	ssyncadd.s32 @!p3 $0xFFFF8000;
	s20 =	sadd.s32 @!p2 $0x8080, s22  }
0x66: {  	[tilespmem:s20], [sflag:$0x1] =	stream.linear.gather @!p2 [hbm4b:s8+s23], $0x400, $0x38;
	[tilespmem:$0x1C080] =	vst v63  }
0x67: {  	s24 =	sadd.s32 @!p2 $0x9080, s22;
	s20 =	sadd.s32 @!p2 $0xF4280, s8  }
0x68: {  	[tilespmem:s24], [sflag:$0x1] =	stream.linear.gather @!p2 [hbm4b:s20+s23], $0x400, $0x38;
	[tilespmem:$0x1C080] =	vst v63  }
0x69: {  	s20 =	sadd.s32 @!p2 $0x1E8500, s8;
	s24 =	sadd.s32 @!p2 $0xA080, s22  }
0x6a: {  	[tilespmem:s24], [sflag:$0x1] =	stream.linear.gather @!p2 [hbm4b:s20+s23], $0x400, $0x38;
	[tilespmem:$0x1C080] =	vst v63  }
0x6b: {  	s20 =	sadd.s32 @!p2 $0x2DC780, s8;
	s24 =	sadd.s32 @!p2 $0xB080, s22  }
0x6c: {  	[tilespmem:s24], [sflag:$0x1] =	stream.linear.gather @!p2 [hbm4b:s20+s23], $0x400, $0x38;
	[tilespmem:$0x1C080] =	vst v63  }
0x6d: {  	s20 =	sadd.s32 @!p2 $0x3D0A00, s8;
	s24 =	sadd.s32 @!p2 $0xC080, s22  }
0x6e: {  	[tilespmem:s24], [sflag:$0x1] =	stream.linear.gather @!p2 [hbm4b:s20+s23], $0x400, $0x38;
	[tilespmem:$0x1C080] =	vst v63  }
0x6f: {  	s20 =	sadd.s32 @!p2 $0x4C4C80, s8;
	s24 =	sadd.s32 @!p2 $0xD080, s22  }
0x70: {  	[tilespmem:s24], [sflag:$0x1] =	stream.linear.gather @!p2 [hbm4b:s20+s23], $0x400, $0x38;
	[tilespmem:$0x1C080] =	vst v63  }
0x71: {  	s20 =	sadd.s32 @!p2 $0x5B8F00, s8;
	s24 =	sadd.s32 @!p2 $0xE080, s22  }
0x72: {  	[tilespmem:s24], [sflag:$0x1] =	stream.linear.gather @!p2 [hbm4b:s20+s23], $0x400, $0x38;
	[tilespmem:$0x1C080] =	vst v63  }
0x73: {  	s22 =	sadd.s32 @!p2 $0xF080, s22;
	s20 =	sadd.s32 @!p2 $0x6AD180, s8  }
0x74: {  	[tilespmem:s22], [sflag:$0x1] =	stream.linear.gather @!p2 [hbm4b:s20+s23], $0x400, $0x38;
	[tilespmem:$0x1C080] =	vst v63  }
.Ltmp3:
0x75: {  	_ = 	snop;
	(pc) =	sbr.rel @p0 .LBB2_4-.Ltmp3, $4  }
0x76: {  	s21 =	sshll.u32 @!p1 s21, $0x9;
	s20 =	sshll.u32 @!p1 s17, $0xF  }
0x77: {  	s21 =	sadd.s32 @!p1 s2, s21;
	s20 =	sand.u32 @!p1 $0x8000, s20  }
0x78: {  	s22 =	simm.s32 @!p1 $0x1000;
	s23 =	simm.s32 @!p1 $0x7A1400;
	s20 =	sadd.s32 @!p1 $0x8080, s20  }
0x79: {  	[tilespmem:s20], [sflag:$0x1] =	stream.strided.gather @!p1 [hbm4b:s21+s22], $0x8000, s23, s22, $0x38;
	[tilespmem:$0x1C080] =	vst v63  }
.Ltmp4:
0x7a: {  	(pc) =	sbr.rel .LBB2_7-.Ltmp4, $4  }
0x7b: {  	s19 =	sand.u32 $0x1, s19  }
0x7c: {  	s19 =	sshll.u32 s19, $0xF  }
0x7d: {  	v10 =	vmov s18;
	v11 =	vor.u32 s19, v4  }
0x7e: {  	s18 =	simm.s32 $0x0;
	v12 =	vor.u32 s19, v5;
	v13 =	vor.u32 s19, v6;
	v14 =	vor.u32 s19, v7  }
.LBB2_10:
0x7f: {  	s18 =	sadd.s32 $0x1, s18  }
0x80: {  	p1 =	seq.s32 s18, s16  }
.Ltmp5:
0x81: {  	_ = 	snop;
	(pc) =	sbr.rel @p1 .LBB2_4-.Ltmp5, $1  }
0x82: {  	_ =	sdelay $0x3  }
.LBB2_7:
0x83: {  	s19 =	sshll.u32 s18, $0x4  }
0x84: {  	v15 =	vld [tilespmem:s19+$0x4000];
	_ =	sdelay $0x2  }
0x85: {  	v16 =	vor.u32 s19, v2  }
0x86: {  	vm0 =	vlt.s32 v16, v9  }
0x87: {  	v16 =	vnsel vm0, $0x0, v15;
	_ =	sdelay $0x4  }
0x88: {  	v16 =	vld.idx.msk [tilespmem:v16+s6+$0x0], $0xffff;
	_ =	sdelay $0x4  }
0x89: {  	v17 =	vshra.s32 v16, $0x1F;
	v18 =	vand.u32 $0x1FF, v16  }
0x8a: {  	vm1 =	vlt.s32 v16, $0x1;
	v17 =	vshrl.u32 v17, $0x17;
	vm2 =	vne.s32 v18, $0x0  }
0x8b: {  	v17 =	vadd.s32 v17, v16;
	vm1 =	vmand vm1, vm2  }
0x8c: {  	v17 =	vshra.s32 v17, $0x9;
	v18 =	vsel vm1, $0xFFFFFFFF, v3  }
0x8d: {  	v17 =	vadd.s32 v18, v17  }
0x8e: {  	vm1 =	veq.s32 v17, v10  }
0x8f: {  	vm0 =	vmand vm0, vm1  }
0x90: {  	v17 =	vsel vm0, $0x3F800000, v8  }
0x91: {  	(xrf0) =	vmax.scan.msk.f32 $0xffff, v17;
	_ =	sdelay $0x5  }
0x92: {  	v17, _, _ =	vpop (xrf0)  }
0x93: {  	(v2sf) =	vpush v17, $0xF;
	_ =	sdelay $0xe  }
0x94: {  	s31 =	spop (v2sf)  }
0x95: {  	p1 =	sgt.f32 s31, $0.0e+00  }
.Ltmp6:
0x96: {  	_ = 	snop;
	(pc) =	sbr.rel @!p1 .LBB2_10-.Ltmp6, $1  }
0x97: {  	_ =	sdelay $0x3  }
0x98: {  	v17 =	vxor.u32 $0x80000000, v15;
	s19 =	sshll.u32 s15, $0x7  }
.LBB2_9:
0x99: {  	v18 =	vnsel vm0, $0xC0000000, v17  }
0x9a: {  	(xrf0) =	vmin.scan.msk.u32 $0xffff, v18;
	_ =	sdelay $0x5  }
0x9b: {  	v18, _, _ =	vpop (xrf0)  }
0x9c: {  	(v2sf) =	vpush v18, $0xF;
	_ =	sdelay $0xe  }
0x9d: {  	s20 =	spop (v2sf)  }
0x9e: {  	s21 =	sxor.u32 $0x80000000, s20  }
0x9f: {  	vm1 =	veq.s32 v15, s21  }
0xa0: {  	v18 =	vnsel vm1, $0x0, v16  }
0xa1: {  	(xrf0) =	vadd.scan.msk.s32 $0xffff, v18;
	_ =	sdelay $0x5  }
0xa2: {  	v18, _, _ =	vpop (xrf0)  }
0xa3: {  	(v2sf) =	vpush v18, $0xF;
	_ =	sdelay $0xe  }
0xa4: {  	s22 =	spop (v2sf)  }
0xa5: {  	s22 =	sand.u32 $0x1FF, s22  }
0xa6: {  	v18 =	vmov s22  }
0xa7: {  	v19 =	vand.u32 $0x7F, v18;
	v18 =	vshll.u32 v18, $0x3  }
0xa8: {  	v18 =	vand.u32 $0xC00, v18;
	v20 =	vor.u32 v11, v19  }
0xa9: {  	v20 =	vor.u32 v18, v20;
	_ =	sdelay $0x4  }
0xaa: {  	v21 =	vor.u32 v12, v19;
	v20 =	vld.idx.msk [tilespmem:v20+s13+$0x0], $0xffff  }
0xab: {  	v21 =	vor.u32 v18, v21;
	_ =	sdelay $0x2  }
0xac: {  	s30 =	sand.u32 $0x3F80, s19  }
0xad: {  	[tilespmem:s30+$0x18080] =	vst v20  }
0xae: {  	v63 =	vor.u32 v13, v19;
	v20 =	vld.idx.msk [tilespmem:v21+s13+$0x0], $0xffff  }
0xaf: {  	v21 =	vor.u32 v18, v63;
	_ =	sdelay $0x3  }
0xb0: {  	[tilespmem:s30+$0x18090] =	vst v20  }
0xb1: {  	v19 =	vor.u32 v14, v19;
	v20 =	vld.idx.msk [tilespmem:v21+s13+$0x0], $0xffff  }
0xb2: {  	v18 =	vor.u32 v18, v19;
	_ =	sdelay $0x3  }
0xb3: {  	[tilespmem:s30+$0x180A0] =	vst v20  }
0xb4: {  	v18 =	vld.idx.msk [tilespmem:v18+s13+$0x0], $0xffff;
	_ =	sdelay $0x2  }
0xb5: {  	s20 =	sshll.u32 s20, $0x4  }
0xb6: {  	s20 =	sand.u32 $0x1FFFFFF0, s20  }
0xb7: {  	p1 =	slt.s32 s15, $0x40;
	s20 =	sadd.s32 s5, s20;
	s22 =	sadd.s32 $0x18080, s30;
	[tilespmem:s30+$0x180B0] =	vst v18;
	v18 =	vmov s21  }
0xb8: {  	[hbm4b:s20+s6] =	stream.linear.scatter [tilespmem:s22], [sflag:$0x2], $0x80, $0x38;
	vm1 =	vne.s32 v15, v18;
	[tilespmem:$0x1C080] =	vst v63  }
0xb9: {  	s20 =	simm.s32 @!p1 $0x2;
	vm0 =	vmand vm0, vm1  }
0xba: {  	_ =	swait.ge @!p1 [sflag:s20], $0x80;
	v18 =	vsel vm0, $0x3F800000, v8  }
0xbb: {  	(xrf0) =	vmax.scan.msk.f32 $0xffff, v18;
	_ =	sdelay $0x5  }
0xbc: {  	v18, _, _ =	vpop (xrf0)  }
0xbd: {  	(v2sf) =	vpush v18, $0xF;
	_ =	sdelay $0xe  }
0xbe: {  	s31 =	spop (v2sf)  }
0xbf: {  	p2 =	sgt.f32 s31, $0.0e+00  }
.Ltmp7:
0xc0: {  	_ = 	snop;
	(pc) =	sbr.rel @p2 .LBB2_9-.Ltmp7, $3  }
0xc1: {  	_ =	sdelay $0x1  }
0xc2: {  	[sflag:s20] =	ssyncset.done @!p1 $0x0  }
0xc3: {  	s15 =	sadd.s32 $0x1, s15;
	s19 =	sadd.s32 $0x80, s19;
	[sflag:s20] =	ssyncadd.s32 @!p1 $0xFFFFFF80  }
.Ltmp8:
0xc4: {  	_ = 	snop;
	(pc) =	sbr.rel .LBB2_10-.Ltmp8, $1  }
0xc5: {  	_ =	sdelay $0x3  }
.LBB2_11:
0xc6: {  	p0 =	sle.s32 s15, $0x0  }
0xc7: {  	s17 =	simm.s32 @!p0 $0x2  }
0xc8: {  	_ =	swait.ge @!p0 [sflag:s17], $0x80  }
0xc9: {  	s16 =	simm.s32 $0x1;
	[sflag:s17] =	ssyncset.done @!p0 $0x0  }
.LBB2_12:
0xca: {  	[sflag:s17] =	ssyncadd.s32 @!p0 $0xFFFFFF80;
	s17 =	smov.u32 s16;
	s16 =	sadd.s32 $0x1, s16  }
0xcb: {  	p1 =	sne.s32 s16, $0x40  }
.Ltmp9:
0xcc: {  	(pc) =	sbr.rel @p1 .LBB2_12-.Ltmp9, $4  }
0xcd: {  	p0 =	sle.s32 s15, s17  }
0xce: {  	s17 =	simm.s32 @!p0 $0x2  }
0xcf: {  	_ =	swait.ge @!p0 [sflag:s17], $0x80  }
0xd0: {  	[sflag:s17] =	ssyncset.done @!p0 $0x0  }
0xd1: {  	s14 =	sadd.s32 $0x1, s14  }
0xd2: {  	p1 =	sne.s32 s14, s9  }
.Ltmp10:
0xd3: {  	_ = 	snop;
	(pc) =	sbr.rel @p1 .LBB2_1-.Ltmp10, $2  }
0xd4: {  	_ =	sdelay $0x2  }
0xd5: {  	[sflag:s17] =	ssyncadd.s32 @!p0 $0xFFFFFF80  }
0xd6: {  	_ =	sfence.sel $0x180000  }
0xd7: {  	[bflag:$0x0] =	sbarrier.arrive $0xFFFF  }
0xd8: {  	p0 =	sne.s32 s0, $0x0;
	_ =	strace $0x90000047  }
0xd9: {  	s0 =	sadd.s32 @!p0 $0x100000, s4;
	[bflag:$0x2] =	sbarrier.arrive $0xFFFF  }
0xda: {  	[sflag:s0] =	ssyncadd.tile.s32 @!p0 $0x1;
	_ =	shalt  }
.Lfunc_end2:
_tile_overlayer_lowered:
.L_overlay_start_2:
0xdb: {  	(tag) =	ssettag $0x2  }
0xdc: {  	s0 =	rddreg [dreg:$0x0];
	s2 =	stileid.u32  }
0xdd: {  	s1 =	rddreg [dreg:$0x1];
	p0 =	sne.s32 s2, $0x0  }
0xde: {  	s3 =	rddreg [dreg:$0x2];
	[bflag:$0x3] =	sbarrier.arrive $0xFFFF;
	s2 =	simm.s32 @!p0 $0x1C03  }
0xdf: {  	[timem:s3], [sflag:s2] =	dma.local @!p0 [hbm:s0], s1  }
0xe0: {  	s0 =	simm.s32 @!p0 $0x3  }
0xe1: {  	_ =	swait.ge @!p0 [sflag:s0], s1  }
0xe2: {  	s1 =	ssub.s32 @!p0 $0x0, s1;
	[sflag:s0] =	ssyncset.done @!p0 $0x0  }
0xe3: {  	[sflag:s0] =	ssyncadd.s32 @!p0 s1  }
0xe4: {  	[bflag:$0x3] =	sbarrier.arrive $0xFFFF  }
0xe5: {  	_ =	shalt  }

</sc_bundles>
